<compile_context>
chip_gen: v7x
topology: tpu7x:2x2x1
jax: 0.10.2.dev20260603
libtpu: 0.0.44.dev20260713+nightly
codegen_flags: <defaults>
</compile_context>

<pallas_src>
import functools

import jax
import jax.numpy as jnp
from jax import lax
from jax.experimental import pallas as pl
from jax.experimental.pallas import tpu as pltpu
from jax.experimental.pallas import tpu_sc as plsc

_ITEM_NUM = 1000000
_LIST_LEN = 20
_OFF = 2 * _LIST_LEN
_TOTAL = _ITEM_NUM * _LIST_LEN
_CHUNK = 25000


def kernel(x, item_list):
    info = plsc.get_sparse_core_info()
    nc, ns = info.num_cores, info.num_subcores
    nw = nc * ns
    span = _TOTAL // nw
    n_chunks = span // _CHUNK

    flat_in = item_list.reshape(-1)

    @functools.partial(
        pl.kernel,
        mesh=plsc.VectorSubcoreMesh(core_axis_name="c", subcore_axis_name="s"),
        out_type=jax.ShapeDtypeStruct((_TOTAL,), jnp.float32),
        scratch_types=[
            pltpu.VMEM((_CHUNK,), jnp.float32),
            pltpu.VMEM((_CHUNK,), jnp.float32),
            pltpu.SemaphoreType.DMA,
            pltpu.SemaphoreType.DMA,
            pltpu.SemaphoreType.DMA,
            pltpu.SemaphoreType.DMA,
        ],
    )
    def copy_kernel(in_hbm, out_hbm, buf0, buf1, is0, is1, os0, os1):
        wid = lax.axis_index("s") * nc + lax.axis_index("c")
        base_out = wid * span
        base_in = base_out + _OFF
        bufs, isems, osems = (buf0, buf1), (is0, is1), (os0, os1)
        in_h, out_h = {}, {}
        in_h[0] = pltpu.async_copy(
            in_hbm.at[pl.ds(base_in, _CHUNK)], bufs[0], isems[0])
        for i in range(n_chunks):
            b = i % 2
            if i + 1 < n_chunks:
                if i >= 1:
                    out_h[i - 1].wait()
                in_h[i + 1] = pltpu.async_copy(
                    in_hbm.at[pl.ds(base_in + (i + 1) * _CHUNK, _CHUNK)],
                    bufs[1 - b], isems[1 - b])
            in_h[i].wait()
            out_h[i] = pltpu.async_copy(
                bufs[b], out_hbm.at[pl.ds(base_out + i * _CHUNK, _CHUNK)],
                osems[b])
        out_h[n_chunks - 1].wait()
        if n_chunks >= 2:
            out_h[n_chunks - 2].wait()

    return copy_kernel(flat_in).reshape(_ITEM_NUM, _LIST_LEN)

# --- scband reference (transcript-rebuilt; emitter-appended) ---
"""Pipeline reference for scband-item-64982855188801 (READ-ONLY COPY).

The authoritative reference and input builder live on the scoring server;
editing this copy changes nothing except your own understanding.
"""

import jax, jax.numpy as jnp
import numpy as np

ITEM_NUM = 1000000
ITEM_LIST_LEN = 20

def setup_inputs(seed: int = 0) -> dict:
    key = jax.random.key(seed)
    k1, k2 = jax.random.split(key)
    x = jax.random.normal(k1, (1024,), dtype=jnp.float32)
    item_list = jax.random.normal(k2, (ITEM_NUM + 2, ITEM_LIST_LEN), dtype=jnp.float32)
    return {"x": x, "item_list": item_list}

def reference(x, item_list):
    # Faithful translation of Item.build/call:
    # item_index = arange(item_num) + 2; gather rows of item_list; reshape.
    item_index = (jnp.arange(ITEM_NUM) + 2).astype(jnp.int32)
    item_all = jnp.take(item_list, item_index, axis=0)
    item_all = jnp.reshape(item_all, (ITEM_NUM, ITEM_LIST_LEN))
    return item_all

if __name__ == "__main__":
    import jax
    _d = setup_inputs()
    print(jax.jit(kernel)(*tuple(_d.values())))

</pallas_src>

<mosaic_0001>
#map = affine_map<(d0, d1) -> (0)>
module attributes {stable_mosaic.version = 14 : i64} {
  func.func @copy_kernel(%arg0: i32, %arg1: i32, %arg2: memref<20000040xf32, #tpu.memory_space<hbm>>, %arg3: memref<20000000xf32, #tpu.memory_space<hbm>>, %arg4: memref<25000xf32, #tpu.memory_space<vmem>>, %arg5: memref<25000xf32, #tpu.memory_space<vmem>>, %arg6: memref<!tpu.dma_semaphore, #tpu.memory_space<semaphore_mem>>, %arg7: memref<!tpu.dma_semaphore, #tpu.memory_space<semaphore_mem>>, %arg8: memref<!tpu.dma_semaphore, #tpu.memory_space<semaphore_mem>>, %arg9: memref<!tpu.dma_semaphore, #tpu.memory_space<semaphore_mem>>) attributes {dimension_semantics = [#tpu.dimension_semantics<core_parallel>, #tpu.dimension_semantics<subcore_parallel>], iteration_bounds = array<i64: 2, 16>, scalar_prefetch = 0 : i64, scratch_operands = 6 : i64, tpu.core_type = #tpu.core_type<sc_vector_subcore>, window_params = [{transform_indices = #map}, {transform_indices = #map}]} {
    %mul3A = arith.constant 2 : i32
    %mul3A_0 = arith.muli %arg1, %mul3A : i32
    %add3A = arith.addi %mul3A_0, %arg0 : i32
    %mul3A_1 = arith.constant 625000 : i32
    %mul3A_2 = arith.muli %add3A, %mul3A_1 : i32
    %add3A_3 = arith.constant 40 : i32
    %add3A_4 = arith.addi %mul3A_2, %add3A_3 : i32
    %dma_start3A = tpu.memref_slice %arg2[%add3A_4] : memref<20000040xf32, #tpu.memory_space<hbm>> -> memref<25000xf32, #tpu.memory_space<hbm>>
    %dma_start3A_5 = tpu.memref_slice %arg2[%add3A_4] : memref<20000040xf32, #tpu.memory_space<hbm>> -> memref<25000xf32, #tpu.memory_space<hbm>>
    tpu.enqueue_dma source(%dma_start3A_5 : memref<25000xf32, #tpu.memory_space<hbm>>) target(%arg4 : memref<25000xf32, #tpu.memory_space<vmem>>) target_semaphore(%arg6 : memref<!tpu.dma_semaphore, #tpu.memory_space<semaphore_mem>>)
    %add3A_6 = arith.constant 25000 : i32
    %add3A_7 = arith.addi %add3A_4, %add3A_6 : i32
    %dma_start3A_8 = tpu.memref_slice %arg2[%add3A_7] : memref<20000040xf32, #tpu.memory_space<hbm>> -> memref<25000xf32, #tpu.memory_space<hbm>>
    %dma_start3A_9 = tpu.memref_slice %arg2[%add3A_7] : memref<20000040xf32, #tpu.memory_space<hbm>> -> memref<25000xf32, #tpu.memory_space<hbm>>
    tpu.enqueue_dma source(%dma_start3A_9 : memref<25000xf32, #tpu.memory_space<hbm>>) target(%arg5 : memref<25000xf32, #tpu.memory_space<vmem>>) target_semaphore(%arg7 : memref<!tpu.dma_semaphore, #tpu.memory_space<semaphore_mem>>)
    %dma_wait3A = tpu.memref_slice %arg2[%add3A_4] : memref<20000040xf32, #tpu.memory_space<hbm>> -> memref<25000xf32, #tpu.memory_space<hbm>>
    %dma_wait3A_10 = tpu.memref_slice %arg2[%add3A_4] : memref<20000040xf32, #tpu.memory_space<hbm>> -> memref<25000xf32, #tpu.memory_space<hbm>>
    tpu.wait_dma2 semaphore(%arg6 : memref<!tpu.dma_semaphore, #tpu.memory_space<semaphore_mem>>) src(%dma_wait3A_10 : memref<25000xf32, #tpu.memory_space<hbm>>) dst(%arg4 : memref<25000xf32, #tpu.memory_space<vmem>>)
    %add3A_11 = arith.constant 0 : i32
    %add3A_12 = arith.addi %mul3A_2, %add3A_11 : i32
    %dma_start3A_13 = tpu.memref_slice %arg3[%add3A_12] : memref<20000000xf32, #tpu.memory_space<hbm>> -> memref<25000xf32, #tpu.memory_space<hbm>>
    %dma_start3A_14 = tpu.memref_slice %arg3[%add3A_12] : memref<20000000xf32, #tpu.memory_space<hbm>> -> memref<25000xf32, #tpu.memory_space<hbm>>
    tpu.enqueue_dma source(%arg4 : memref<25000xf32, #tpu.memory_space<vmem>>) target(%dma_start3A_14 : memref<25000xf32, #tpu.memory_space<hbm>>) target_semaphore(%arg8 : memref<!tpu.dma_semaphore, #tpu.memory_space<semaphore_mem>>)
    %dma_wait3A_15 = tpu.memref_slice %arg3[%add3A_12] : memref<20000000xf32, #tpu.memory_space<hbm>> -> memref<25000xf32, #tpu.memory_space<hbm>>
    %dma_wait3A_16 = tpu.memref_slice %arg3[%add3A_12] : memref<20000000xf32, #tpu.memory_space<hbm>> -> memref<25000xf32, #tpu.memory_space<hbm>>
    tpu.wait_dma2 semaphore(%arg8 : memref<!tpu.dma_semaphore, #tpu.memory_space<semaphore_mem>>) src(%arg4 : memref<25000xf32, #tpu.memory_space<vmem>>) dst(%dma_wait3A_16 : memref<25000xf32, #tpu.memory_space<hbm>>)
    %add3A_17 = arith.constant 50000 : i32
    %add3A_18 = arith.addi %add3A_4, %add3A_17 : i32
    %dma_start3A_19 = tpu.memref_slice %arg2[%add3A_18] : memref<20000040xf32, #tpu.memory_space<hbm>> -> memref<25000xf32, #tpu.memory_space<hbm>>
    %dma_start3A_20 = tpu.memref_slice %arg2[%add3A_18] : memref<20000040xf32, #tpu.memory_space<hbm>> -> memref<25000xf32, #tpu.memory_space<hbm>>
    tpu.enqueue_dma source(%dma_start3A_20 : memref<25000xf32, #tpu.memory_space<hbm>>) target(%arg4 : memref<25000xf32, #tpu.memory_space<vmem>>) target_semaphore(%arg6 : memref<!tpu.dma_semaphore, #tpu.memory_space<semaphore_mem>>)
    %dma_wait3A_21 = tpu.memref_slice %arg2[%add3A_7] : memref<20000040xf32, #tpu.memory_space<hbm>> -> memref<25000xf32, #tpu.memory_space<hbm>>
    %dma_wait3A_22 = tpu.memref_slice %arg2[%add3A_7] : memref<20000040xf32, #tpu.memory_space<hbm>> -> memref<25000xf32, #tpu.memory_space<hbm>>
    tpu.wait_dma2 semaphore(%arg7 : memref<!tpu.dma_semaphore, #tpu.memory_space<semaphore_mem>>) src(%dma_wait3A_22 : memref<25000xf32, #tpu.memory_space<hbm>>) dst(%arg5 : memref<25000xf32, #tpu.memory_space<vmem>>)
    %add3A_23 = arith.constant 25000 : i32
    %add3A_24 = arith.addi %mul3A_2, %add3A_23 : i32
    %dma_start3A_25 = tpu.memref_slice %arg3[%add3A_24] : memref<20000000xf32, #tpu.memory_space<hbm>> -> memref<25000xf32, #tpu.memory_space<hbm>>
    %dma_start3A_26 = tpu.memref_slice %arg3[%add3A_24] : memref<20000000xf32, #tpu.memory_space<hbm>> -> memref<25000xf32, #tpu.memory_space<hbm>>
    tpu.enqueue_dma source(%arg5 : memref<25000xf32, #tpu.memory_space<vmem>>) target(%dma_start3A_26 : memref<25000xf32, #tpu.memory_space<hbm>>) target_semaphore(%arg9 : memref<!tpu.dma_semaphore, #tpu.memory_space<semaphore_mem>>)
    %dma_wait3A_27 = tpu.memref_slice %arg3[%add3A_24] : memref<20000000xf32, #tpu.memory_space<hbm>> -> memref<25000xf32, #tpu.memory_space<hbm>>
    %dma_wait3A_28 = tpu.memref_slice %arg3[%add3A_24] : memref<20000000xf32, #tpu.memory_space<hbm>> -> memref<25000xf32, #tpu.memory_space<hbm>>
    tpu.wait_dma2 semaphore(%arg9 : memref<!tpu.dma_semaphore, #tpu.memory_space<semaphore_mem>>) src(%arg5 : memref<25000xf32, #tpu.memory_space<vmem>>) dst(%dma_wait3A_28 : memref<25000xf32, #tpu.memory_space<hbm>>)
    %add3A_29 = arith.constant 75000 : i32
    %add3A_30 = arith.addi %add3A_4, %add3A_29 : i32
    %dma_start3A_31 = tpu.memref_slice %arg2[%add3A_30] : memref<20000040xf32, #tpu.memory_space<hbm>> -> memref<25000xf32, #tpu.memory_space<hbm>>
    %dma_start3A_32 = tpu.memref_slice %arg2[%add3A_30] : memref<20000040xf32, #tpu.memory_space<hbm>> -> memref<25000xf32, #tpu.memory_space<hbm>>
    tpu.enqueue_dma source(%dma_start3A_32 : memref<25000xf32, #tpu.memory_space<hbm>>) target(%arg5 : memref<25000xf32, #tpu.memory_space<vmem>>) target_semaphore(%arg7 : memref<!tpu.dma_semaphore, #tpu.memory_space<semaphore_mem>>)
    %dma_wait3A_33 = tpu.memref_slice %arg2[%add3A_18] : memref<20000040xf32, #tpu.memory_space<hbm>> -> memref<25000xf32, #tpu.memory_space<hbm>>
    %dma_wait3A_34 = tpu.memref_slice %arg2[%add3A_18] : memref<20000040xf32, #tpu.memory_space<hbm>> -> memref<25000xf32, #tpu.memory_space<hbm>>
    tpu.wait_dma2 semaphore(%arg6 : memref<!tpu.dma_semaphore, #tpu.memory_space<semaphore_mem>>) src(%dma_wait3A_34 : memref<25000xf32, #tpu.memory_space<hbm>>) dst(%arg4 : memref<25000xf32, #tpu.memory_space<vmem>>)
    %add3A_35 = arith.constant 50000 : i32
    %add3A_36 = arith.addi %mul3A_2, %add3A_35 : i32
    %dma_start3A_37 = tpu.memref_slice %arg3[%add3A_36] : memref<20000000xf32, #tpu.memory_space<hbm>> -> memref<25000xf32, #tpu.memory_space<hbm>>
    %dma_start3A_38 = tpu.memref_slice %arg3[%add3A_36] : memref<20000000xf32, #tpu.memory_space<hbm>> -> memref<25000xf32, #tpu.memory_space<hbm>>
    tpu.enqueue_dma source(%arg4 : memref<25000xf32, #tpu.memory_space<vmem>>) target(%dma_start3A_38 : memref<25000xf32, #tpu.memory_space<hbm>>) target_semaphore(%arg8 : memref<!tpu.dma_semaphore, #tpu.memory_space<semaphore_mem>>)
    %dma_wait3A_39 = tpu.memref_slice %arg3[%add3A_36] : memref<20000000xf32, #tpu.memory_space<hbm>> -> memref<25000xf32, #tpu.memory_space<hbm>>
    %dma_wait3A_40 = tpu.memref_slice %arg3[%add3A_36] : memref<20000000xf32, #tpu.memory_space<hbm>> -> memref<25000xf32, #tpu.memory_space<hbm>>
    tpu.wait_dma2 semaphore(%arg8 : memref<!tpu.dma_semaphore, #tpu.memory_space<semaphore_mem>>) src(%arg4 : memref<25000xf32, #tpu.memory_space<vmem>>) dst(%dma_wait3A_40 : memref<25000xf32, #tpu.memory_space<hbm>>)
    %add3A_41 = arith.constant 100000 : i32
    %add3A_42 = arith.addi %add3A_4, %add3A_41 : i32
    %dma_start3A_43 = tpu.memref_slice %arg2[%add3A_42] : memref<20000040xf32, #tpu.memory_space<hbm>> -> memref<25000xf32, #tpu.memory_space<hbm>>
    %dma_start3A_44 = tpu.memref_slice %arg2[%add3A_42] : memref<20000040xf32, #tpu.memory_space<hbm>> -> memref<25000xf32, #tpu.memory_space<hbm>>
    tpu.enqueue_dma source(%dma_start3A_44 : memref<25000xf32, #tpu.memory_space<hbm>>) target(%arg4 : memref<25000xf32, #tpu.memory_space<vmem>>) target_semaphore(%arg6 : memref<!tpu.dma_semaphore, #tpu.memory_space<semaphore_mem>>)
    %dma_wait3A_45 = tpu.memref_slice %arg2[%add3A_30] : memref<20000040xf32, #tpu.memory_space<hbm>> -> memref<25000xf32, #tpu.memory_space<hbm>>
    %dma_wait3A_46 = tpu.memref_slice %arg2[%add3A_30] : memref<20000040xf32, #tpu.memory_space<hbm>> -> memref<25000xf32, #tpu.memory_space<hbm>>
    tpu.wait_dma2 semaphore(%arg7 : memref<!tpu.dma_semaphore, #tpu.memory_space<semaphore_mem>>) src(%dma_wait3A_46 : memref<25000xf32, #tpu.memory_space<hbm>>) dst(%arg5 : memref<25000xf32, #tpu.memory_space<vmem>>)
    %add3A_47 = arith.constant 75000 : i32
    %add3A_48 = arith.addi %mul3A_2, %add3A_47 : i32
    %dma_start3A_49 = tpu.memref_slice %arg3[%add3A_48] : memref<20000000xf32, #tpu.memory_space<hbm>> -> memref<25000xf32, #tpu.memory_space<hbm>>
    %dma_start3A_50 = tpu.memref_slice %arg3[%add3A_48] : memref<20000000xf32, #tpu.memory_space<hbm>> -> memref<25000xf32, #tpu.memory_space<hbm>>
    tpu.enqueue_dma source(%arg5 : memref<25000xf32, #tpu.memory_space<vmem>>) target(%dma_start3A_50 : memref<25000xf32, #tpu.memory_space<hbm>>) target_semaphore(%arg9 : memref<!tpu.dma_semaphore, #tpu.memory_space<semaphore_mem>>)
    %dma_wait3A_51 = tpu.memref_slice %arg3[%add3A_48] : memref<20000000xf32, #tpu.memory_space<hbm>> -> memref<25000xf32, #tpu.memory_space<hbm>>
    %dma_wait3A_52 = tpu.memref_slice %arg3[%add3A_48] : memref<20000000xf32, #tpu.memory_space<hbm>> -> memref<25000xf32, #tpu.memory_space<hbm>>
    tpu.wait_dma2 semaphore(%arg9 : memref<!tpu.dma_semaphore, #tpu.memory_space<semaphore_mem>>) src(%arg5 : memref<25000xf32, #tpu.memory_space<vmem>>) dst(%dma_wait3A_52 : memref<25000xf32, #tpu.memory_space<hbm>>)
    %add3A_53 = arith.constant 125000 : i32
    %add3A_54 = arith.addi %add3A_4, %add3A_53 : i32
    %dma_start3A_55 = tpu.memref_slice %arg2[%add3A_54] : memref<20000040xf32, #tpu.memory_space<hbm>> -> memref<25000xf32, #tpu.memory_space<hbm>>
    %dma_start3A_56 = tpu.memref_slice %arg2[%add3A_54] : memref<20000040xf32, #tpu.memory_space<hbm>> -> memref<25000xf32, #tpu.memory_space<hbm>>
    tpu.enqueue_dma source(%dma_start3A_56 : memref<25000xf32, #tpu.memory_space<hbm>>) target(%arg5 : memref<25000xf32, #tpu.memory_space<vmem>>) target_semaphore(%arg7 : memref<!tpu.dma_semaphore, #tpu.memory_space<semaphore_mem>>)
    %dma_wait3A_57 = tpu.memref_slice %arg2[%add3A_42] : memref<20000040xf32, #tpu.memory_space<hbm>> -> memref<25000xf32, #tpu.memory_space<hbm>>
    %dma_wait3A_58 = tpu.memref_slice %arg2[%add3A_42] : memref<20000040xf32, #tpu.memory_space<hbm>> -> memref<25000xf32, #tpu.memory_space<hbm>>
    tpu.wait_dma2 semaphore(%arg6 : memref<!tpu.dma_semaphore, #tpu.memory_space<semaphore_mem>>) src(%dma_wait3A_58 : memref<25000xf32, #tpu.memory_space<hbm>>) dst(%arg4 : memref<25000xf32, #tpu.memory_space<vmem>>)
    %add3A_59 = arith.constant 100000 : i32
    %add3A_60 = arith.addi %mul3A_2, %add3A_59 : i32
    %dma_start3A_61 = tpu.memref_slice %arg3[%add3A_60] : memref<20000000xf32, #tpu.memory_space<hbm>> -> memref<25000xf32, #tpu.memory_space<hbm>>
    %dma_start3A_62 = tpu.memref_slice %arg3[%add3A_60] : memref<20000000xf32, #tpu.memory_space<hbm>> -> memref<25000xf32, #tpu.memory_space<hbm>>
    tpu.enqueue_dma source(%arg4 : memref<25000xf32, #tpu.memory_space<vmem>>) target(%dma_start3A_62 : memref<25000xf32, #tpu.memory_space<hbm>>) target_semaphore(%arg8 : memref<!tpu.dma_semaphore, #tpu.memory_space<semaphore_mem>>)
    %dma_wait3A_63 = tpu.memref_slice %arg3[%add3A_60] : memref<20000000xf32, #tpu.memory_space<hbm>> -> memref<25000xf32, #tpu.memory_space<hbm>>
    %dma_wait3A_64 = tpu.memref_slice %arg3[%add3A_60] : memref<20000000xf32, #tpu.memory_space<hbm>> -> memref<25000xf32, #tpu.memory_space<hbm>>
    tpu.wait_dma2 semaphore(%arg8 : memref<!tpu.dma_semaphore, #tpu.memory_space<semaphore_mem>>) src(%arg4 : memref<25000xf32, #tpu.memory_space<vmem>>) dst(%dma_wait3A_64 : memref<25000xf32, #tpu.memory_space<hbm>>)
    %add3A_65 = arith.constant 150000 : i32
    %add3A_66 = arith.addi %add3A_4, %add3A_65 : i32
    %dma_start3A_67 = tpu.memref_slice %arg2[%add3A_66] : memref<20000040xf32, #tpu.memory_space<hbm>> -> memref<25000xf32, #tpu.memory_space<hbm>>
    %dma_start3A_68 = tpu.memref_slice %arg2[%add3A_66] : memref<20000040xf32, #tpu.memory_space<hbm>> -> memref<25000xf32, #tpu.memory_space<hbm>>
    tpu.enqueue_dma source(%dma_start3A_68 : memref<25000xf32, #tpu.memory_space<hbm>>) target(%arg4 : memref<25000xf32, #tpu.memory_space<vmem>>) target_semaphore(%arg6 : memref<!tpu.dma_semaphore, #tpu.memory_space<semaphore_mem>>)
    %dma_wait3A_69 = tpu.memref_slice %arg2[%add3A_54] : memref<20000040xf32, #tpu.memory_space<hbm>> -> memref<25000xf32, #tpu.memory_space<hbm>>
    %dma_wait3A_70 = tpu.memref_slice %arg2[%add3A_54] : memref<20000040xf32, #tpu.memory_space<hbm>> -> memref<25000xf32, #tpu.memory_space<hbm>>
    tpu.wait_dma2 semaphore(%arg7 : memref<!tpu.dma_semaphore, #tpu.memory_space<semaphore_mem>>) src(%dma_wait3A_70 : memref<25000xf32, #tpu.memory_space<hbm>>) dst(%arg5 : memref<25000xf32, #tpu.memory_space<vmem>>)
    %add3A_71 = arith.constant 125000 : i32
    %add3A_72 = arith.addi %mul3A_2, %add3A_71 : i32
    %dma_start3A_73 = tpu.memref_slice %arg3[%add3A_72] : memref<20000000xf32, #tpu.memory_space<hbm>> -> memref<25000xf32, #tpu.memory_space<hbm>>
    %dma_start3A_74 = tpu.memref_slice %arg3[%add3A_72] : memref<20000000xf32, #tpu.memory_space<hbm>> -> memref<25000xf32, #tpu.memory_space<hbm>>
    tpu.enqueue_dma source(%arg5 : memref<25000xf32, #tpu.memory_space<vmem>>) target(%dma_start3A_74 : memref<25000xf32, #tpu.memory_space<hbm>>) target_semaphore(%arg9 : memref<!tpu.dma_semaphore, #tpu.memory_space<semaphore_mem>>)
    %dma_wait3A_75 = tpu.memref_slice %arg3[%add3A_72] : memref<20000000xf32, #tpu.memory_space<hbm>> -> memref<25000xf32, #tpu.memory_space<hbm>>
    %dma_wait3A_76 = tpu.memref_slice %arg3[%add3A_72] : memref<20000000xf32, #tpu.memory_space<hbm>> -> memref<25000xf32, #tpu.memory_space<hbm>>
    tpu.wait_dma2 semaphore(%arg9 : memref<!tpu.dma_semaphore, #tpu.memory_space<semaphore_mem>>) src(%arg5 : memref<25000xf32, #tpu.memory_space<vmem>>) dst(%dma_wait3A_76 : memref<25000xf32, #tpu.memory_space<hbm>>)
    %add3A_77 = arith.constant 175000 : i32
    %add3A_78 = arith.addi %add3A_4, %add3A_77 : i32
    %dma_start3A_79 = tpu.memref_slice %arg2[%add3A_78] : memref<20000040xf32, #tpu.memory_space<hbm>> -> memref<25000xf32, #tpu.memory_space<hbm>>
    %dma_start3A_80 = tpu.memref_slice %arg2[%add3A_78] : memref<20000040xf32, #tpu.memory_space<hbm>> -> memref<25000xf32, #tpu.memory_space<hbm>>
    tpu.enqueue_dma source(%dma_start3A_80 : memref<25000xf32, #tpu.memory_space<hbm>>) target(%arg5 : memref<25000xf32, #tpu.memory_space<vmem>>) target_semaphore(%arg7 : memref<!tpu.dma_semaphore, #tpu.memory_space<semaphore_mem>>)
    %dma_wait3A_81 = tpu.memref_slice %arg2[%add3A_66] : memref<20000040xf32, #tpu.memory_space<hbm>> -> memref<25000xf32, #tpu.memory_space<hbm>>
    %dma_wait3A_82 = tpu.memref_slice %arg2[%add3A_66] : memref<20000040xf32, #tpu.memory_space<hbm>> -> memref<25000xf32, #tpu.memory_space<hbm>>
    tpu.wait_dma2 semaphore(%arg6 : memref<!tpu.dma_semaphore, #tpu.memory_space<semaphore_mem>>) src(%dma_wait3A_82 : memref<25000xf32, #tpu.memory_space<hbm>>) dst(%arg4 : memref<25000xf32, #tpu.memory_space<vmem>>)
    %add3A_83 = arith.constant 150000 : i32
    %add3A_84 = arith.addi %mul3A_2, %add3A_83 : i32
    %dma_start3A_85 = tpu.memref_slice %arg3[%add3A_84] : memref<20000000xf32, #tpu.memory_space<hbm>> -> memref<25000xf32, #tpu.memory_space<hbm>>
    %dma_start3A_86 = tpu.memref_slice %arg3[%add3A_84] : memref<20000000xf32, #tpu.memory_space<hbm>> -> memref<25000xf32, #tpu.memory_space<hbm>>
    tpu.enqueue_dma source(%arg4 : memref<25000xf32, #tpu.memory_space<vmem>>) target(%dma_start3A_86 : memref<25000xf32, #tpu.memory_space<hbm>>) target_semaphore(%arg8 : memref<!tpu.dma_semaphore, #tpu.memory_space<semaphore_mem>>)
    %dma_wait3A_87 = tpu.memref_slice %arg3[%add3A_84] : memref<20000000xf32, #tpu.memory_space<hbm>> -> memref<25000xf32, #tpu.memory_space<hbm>>
    %dma_wait3A_88 = tpu.memref_slice %arg3[%add3A_84] : memref<20000000xf32, #tpu.memory_space<hbm>> -> memref<25000xf32, #tpu.memory_space<hbm>>
    tpu.wait_dma2 semaphore(%arg8 : memref<!tpu.dma_semaphore, #tpu.memory_space<semaphore_mem>>) src(%arg4 : memref<25000xf32, #tpu.memory_space<vmem>>) dst(%dma_wait3A_88 : memref<25000xf32, #tpu.memory_space<hbm>>)
    %add3A_89 = arith.constant 200000 : i32
    %add3A_90 = arith.addi %add3A_4, %add3A_89 : i32
    %dma_start3A_91 = tpu.memref_slice %arg2[%add3A_90] : memref<20000040xf32, #tpu.memory_space<hbm>> -> memref<25000xf32, #tpu.memory_space<hbm>>
    %dma_start3A_92 = tpu.memref_slice %arg2[%add3A_90] : memref<20000040xf32, #tpu.memory_space<hbm>> -> memref<25000xf32, #tpu.memory_space<hbm>>
    tpu.enqueue_dma source(%dma_start3A_92 : memref<25000xf32, #tpu.memory_space<hbm>>) target(%arg4 : memref<25000xf32, #tpu.memory_space<vmem>>) target_semaphore(%arg6 : memref<!tpu.dma_semaphore, #tpu.memory_space<semaphore_mem>>)
    %dma_wait3A_93 = tpu.memref_slice %arg2[%add3A_78] : memref<20000040xf32, #tpu.memory_space<hbm>> -> memref<25000xf32, #tpu.memory_space<hbm>>
    %dma_wait3A_94 = tpu.memref_slice %arg2[%add3A_78] : memref<20000040xf32, #tpu.memory_space<hbm>> -> memref<25000xf32, #tpu.memory_space<hbm>>
    tpu.wait_dma2 semaphore(%arg7 : memref<!tpu.dma_semaphore, #tpu.memory_space<semaphore_mem>>) src(%dma_wait3A_94 : memref<25000xf32, #tpu.memory_space<hbm>>) dst(%arg5 : memref<25000xf32, #tpu.memory_space<vmem>>)
    %add3A_95 = arith.constant 175000 : i32
    %add3A_96 = arith.addi %mul3A_2, %add3A_95 : i32
    %dma_start3A_97 = tpu.memref_slice %arg3[%add3A_96] : memref<20000000xf32, #tpu.memory_space<hbm>> -> memref<25000xf32, #tpu.memory_space<hbm>>
    %dma_start3A_98 = tpu.memref_slice %arg3[%add3A_96] : memref<20000000xf32, #tpu.memory_space<hbm>> -> memref<25000xf32, #tpu.memory_space<hbm>>
    tpu.enqueue_dma source(%arg5 : memref<25000xf32, #tpu.memory_space<vmem>>) target(%dma_start3A_98 : memref<25000xf32, #tpu.memory_space<hbm>>) target_semaphore(%arg9 : memref<!tpu.dma_semaphore, #tpu.memory_space<semaphore_mem>>)
    %dma_wait3A_99 = tpu.memref_slice %arg3[%add3A_96] : memref<20000000xf32, #tpu.memory_space<hbm>> -> memref<25000xf32, #tpu.memory_space<hbm>>
    %dma_wait3A_100 = tpu.memref_slice %arg3[%add3A_96] : memref<20000000xf32, #tpu.memory_space<hbm>> -> memref<25000xf32, #tpu.memory_space<hbm>>
    tpu.wait_dma2 semaphore(%arg9 : memref<!tpu.dma_semaphore, #tpu.memory_space<semaphore_mem>>) src(%arg5 : memref<25000xf32, #tpu.memory_space<vmem>>) dst(%dma_wait3A_100 : memref<25000xf32, #tpu.memory_space<hbm>>)
    %add3A_101 = arith.constant 225000 : i32
    %add3A_102 = arith.addi %add3A_4, %add3A_101 : i32
    %dma_start3A_103 = tpu.memref_slice %arg2[%add3A_102] : memref<20000040xf32, #tpu.memory_space<hbm>> -> memref<25000xf32, #tpu.memory_space<hbm>>
    %dma_start3A_104 = tpu.memref_slice %arg2[%add3A_102] : memref<20000040xf32, #tpu.memory_space<hbm>> -> memref<25000xf32, #tpu.memory_space<hbm>>
    tpu.enqueue_dma source(%dma_start3A_104 : memref<25000xf32, #tpu.memory_space<hbm>>) target(%arg5 : memref<25000xf32, #tpu.memory_space<vmem>>) target_semaphore(%arg7 : memref<!tpu.dma_semaphore, #tpu.memory_space<semaphore_mem>>)
    %dma_wait3A_105 = tpu.memref_slice %arg2[%add3A_90] : memref<20000040xf32, #tpu.memory_space<hbm>> -> memref<25000xf32, #tpu.memory_space<hbm>>
    %dma_wait3A_106 = tpu.memref_slice %arg2[%add3A_90] : memref<20000040xf32, #tpu.memory_space<hbm>> -> memref<25000xf32, #tpu.memory_space<hbm>>
    tpu.wait_dma2 semaphore(%arg6 : memref<!tpu.dma_semaphore, #tpu.memory_space<semaphore_mem>>) src(%dma_wait3A_106 : memref<25000xf32, #tpu.memory_space<hbm>>) dst(%arg4 : memref<25000xf32, #tpu.memory_space<vmem>>)
    %add3A_107 = arith.constant 200000 : i32
    %add3A_108 = arith.addi %mul3A_2, %add3A_107 : i32
    %dma_start3A_109 = tpu.memref_slice %arg3[%add3A_108] : memref<20000000xf32, #tpu.memory_space<hbm>> -> memref<25000xf32, #tpu.memory_space<hbm>>
    %dma_start3A_110 = tpu.memref_slice %arg3[%add3A_108] : memref<20000000xf32, #tpu.memory_space<hbm>> -> memref<25000xf32, #tpu.memory_space<hbm>>
    tpu.enqueue_dma source(%arg4 : memref<25000xf32, #tpu.memory_space<vmem>>) target(%dma_start3A_110 : memref<25000xf32, #tpu.memory_space<hbm>>) target_semaphore(%arg8 : memref<!tpu.dma_semaphore, #tpu.memory_space<semaphore_mem>>)
    %dma_wait3A_111 = tpu.memref_slice %arg3[%add3A_108] : memref<20000000xf32, #tpu.memory_space<hbm>> -> memref<25000xf32, #tpu.memory_space<hbm>>
    %dma_wait3A_112 = tpu.memref_slice %arg3[%add3A_108] : memref<20000000xf32, #tpu.memory_space<hbm>> -> memref<25000xf32, #tpu.memory_space<hbm>>
    tpu.wait_dma2 semaphore(%arg8 : memref<!tpu.dma_semaphore, #tpu.memory_space<semaphore_mem>>) src(%arg4 : memref<25000xf32, #tpu.memory_space<vmem>>) dst(%dma_wait3A_112 : memref<25000xf32, #tpu.memory_space<hbm>>)
    %add3A_113 = arith.constant 250000 : i32
    %add3A_114 = arith.addi %add3A_4, %add3A_113 : i32
    %dma_start3A_115 = tpu.memref_slice %arg2[%add3A_114] : memref<20000040xf32, #tpu.memory_space<hbm>> -> memref<25000xf32, #tpu.memory_space<hbm>>
    %dma_start3A_116 = tpu.memref_slice %arg2[%add3A_114] : memref<20000040xf32, #tpu.memory_space<hbm>> -> memref<25000xf32, #tpu.memory_space<hbm>>
    tpu.enqueue_dma source(%dma_start3A_116 : memref<25000xf32, #tpu.memory_space<hbm>>) target(%arg4 : memref<25000xf32, #tpu.memory_space<vmem>>) target_semaphore(%arg6 : memref<!tpu.dma_semaphore, #tpu.memory_space<semaphore_mem>>)
    %dma_wait3A_117 = tpu.memref_slice %arg2[%add3A_102] : memref<20000040xf32, #tpu.memory_space<hbm>> -> memref<25000xf32, #tpu.memory_space<hbm>>
    %dma_wait3A_118 = tpu.memref_slice %arg2[%add3A_102] : memref<20000040xf32, #tpu.memory_space<hbm>> -> memref<25000xf32, #tpu.memory_space<hbm>>
    tpu.wait_dma2 semaphore(%arg7 : memref<!tpu.dma_semaphore, #tpu.memory_space<semaphore_mem>>) src(%dma_wait3A_118 : memref<25000xf32, #tpu.memory_space<hbm>>) dst(%arg5 : memref<25000xf32, #tpu.memory_space<vmem>>)
    %add3A_119 = arith.constant 225000 : i32
    %add3A_120 = arith.addi %mul3A_2, %add3A_119 : i32
    %dma_start3A_121 = tpu.memref_slice %arg3[%add3A_120] : memref<20000000xf32, #tpu.memory_space<hbm>> -> memref<25000xf32, #tpu.memory_space<hbm>>
    %dma_start3A_122 = tpu.memref_slice %arg3[%add3A_120] : memref<20000000xf32, #tpu.memory_space<hbm>> -> memref<25000xf32, #tpu.memory_space<hbm>>
    tpu.enqueue_dma source(%arg5 : memref<25000xf32, #tpu.memory_space<vmem>>) target(%dma_start3A_122 : memref<25000xf32, #tpu.memory_space<hbm>>) target_semaphore(%arg9 : memref<!tpu.dma_semaphore, #tpu.memory_space<semaphore_mem>>)
    %dma_wait3A_123 = tpu.memref_slice %arg3[%add3A_120] : memref<20000000xf32, #tpu.memory_space<hbm>> -> memref<25000xf32, #tpu.memory_space<hbm>>
    %dma_wait3A_124 = tpu.memref_slice %arg3[%add3A_120] : memref<20000000xf32, #tpu.memory_space<hbm>> -> memref<25000xf32, #tpu.memory_space<hbm>>
    tpu.wait_dma2 semaphore(%arg9 : memref<!tpu.dma_semaphore, #tpu.memory_space<semaphore_mem>>) src(%arg5 : memref<25000xf32, #tpu.memory_space<vmem>>) dst(%dma_wait3A_124 : memref<25000xf32, #tpu.memory_space<hbm>>)
    %add3A_125 = arith.constant 275000 : i32
    %add3A_126 = arith.addi %add3A_4, %add3A_125 : i32
    %dma_start3A_127 = tpu.memref_slice %arg2[%add3A_126] : memref<20000040xf32, #tpu.memory_space<hbm>> -> memref<25000xf32, #tpu.memory_space<hbm>>
    %dma_start3A_128 = tpu.memref_slice %arg2[%add3A_126] : memref<20000040xf32, #tpu.memory_space<hbm>> -> memref<25000xf32, #tpu.memory_space<hbm>>
    tpu.enqueue_dma source(%dma_start3A_128 : memref<25000xf32, #tpu.memory_space<hbm>>) target(%arg5 : memref<25000xf32, #tpu.memory_space<vmem>>) target_semaphore(%arg7 : memref<!tpu.dma_semaphore, #tpu.memory_space<semaphore_mem>>)
    %dma_wait3A_129 = tpu.memref_slice %arg2[%add3A_114] : memref<20000040xf32, #tpu.memory_space<hbm>> -> memref<25000xf32, #tpu.memory_space<hbm>>
    %dma_wait3A_130 = tpu.memref_slice %arg2[%add3A_114] : memref<20000040xf32, #tpu.memory_space<hbm>> -> memref<25000xf32, #tpu.memory_space<hbm>>
    tpu.wait_dma2 semaphore(%arg6 : memref<!tpu.dma_semaphore, #tpu.memory_space<semaphore_mem>>) src(%dma_wait3A_130 : memref<25000xf32, #tpu.memory_space<hbm>>) dst(%arg4 : memref<25000xf32, #tpu.memory_space<vmem>>)
    %add3A_131 = arith.constant 250000 : i32
    %add3A_132 = arith.addi %mul3A_2, %add3A_131 : i32
    %dma_start3A_133 = tpu.memref_slice %arg3[%add3A_132] : memref<20000000xf32, #tpu.memory_space<hbm>> -> memref<25000xf32, #tpu.memory_space<hbm>>
    %dma_start3A_134 = tpu.memref_slice %arg3[%add3A_132] : memref<20000000xf32, #tpu.memory_space<hbm>> -> memref<25000xf32, #tpu.memory_space<hbm>>
    tpu.enqueue_dma source(%arg4 : memref<25000xf32, #tpu.memory_space<vmem>>) target(%dma_start3A_134 : memref<25000xf32, #tpu.memory_space<hbm>>) target_semaphore(%arg8 : memref<!tpu.dma_semaphore, #tpu.memory_space<semaphore_mem>>)
    %dma_wait3A_135 = tpu.memref_slice %arg3[%add3A_132] : memref<20000000xf32, #tpu.memory_space<hbm>> -> memref<25000xf32, #tpu.memory_space<hbm>>
    %dma_wait3A_136 = tpu.memref_slice %arg3[%add3A_132] : memref<20000000xf32, #tpu.memory_space<hbm>> -> memref<25000xf32, #tpu.memory_space<hbm>>
    tpu.wait_dma2 semaphore(%arg8 : memref<!tpu.dma_semaphore, #tpu.memory_space<semaphore_mem>>) src(%arg4 : memref<25000xf32, #tpu.memory_space<vmem>>) dst(%dma_wait3A_136 : memref<25000xf32, #tpu.memory_space<hbm>>)
    %add3A_137 = arith.constant 300000 : i32
    %add3A_138 = arith.addi %add3A_4, %add3A_137 : i32
    %dma_start3A_139 = tpu.memref_slice %arg2[%add3A_138] : memref<20000040xf32, #tpu.memory_space<hbm>> -> memref<25000xf32, #tpu.memory_space<hbm>>
    %dma_start3A_140 = tpu.memref_slice %arg2[%add3A_138] : memref<20000040xf32, #tpu.memory_space<hbm>> -> memref<25000xf32, #tpu.memory_space<hbm>>
    tpu.enqueue_dma source(%dma_start3A_140 : memref<25000xf32, #tpu.memory_space<hbm>>) target(%arg4 : memref<25000xf32, #tpu.memory_space<vmem>>) target_semaphore(%arg6 : memref<!tpu.dma_semaphore, #tpu.memory_space<semaphore_mem>>)
    %dma_wait3A_141 = tpu.memref_slice %arg2[%add3A_126] : memref<20000040xf32, #tpu.memory_space<hbm>> -> memref<25000xf32, #tpu.memory_space<hbm>>
    %dma_wait3A_142 = tpu.memref_slice %arg2[%add3A_126] : memref<20000040xf32, #tpu.memory_space<hbm>> -> memref<25000xf32, #tpu.memory_space<hbm>>
    tpu.wait_dma2 semaphore(%arg7 : memref<!tpu.dma_semaphore, #tpu.memory_space<semaphore_mem>>) src(%dma_wait3A_142 : memref<25000xf32, #tpu.memory_space<hbm>>) dst(%arg5 : memref<25000xf32, #tpu.memory_space<vmem>>)
    %add3A_143 = arith.constant 275000 : i32
    %add3A_144 = arith.addi %mul3A_2, %add3A_143 : i32
    %dma_start3A_145 = tpu.memref_slice %arg3[%add3A_144] : memref<20000000xf32, #tpu.memory_space<hbm>> -> memref<25000xf32, #tpu.memory_space<hbm>>
    %dma_start3A_146 = tpu.memref_slice %arg3[%add3A_144] : memref<20000000xf32, #tpu.memory_space<hbm>> -> memref<25000xf32, #tpu.memory_space<hbm>>
    tpu.enqueue_dma source(%arg5 : memref<25000xf32, #tpu.memory_space<vmem>>) target(%dma_start3A_146 : memref<25000xf32, #tpu.memory_space<hbm>>) target_semaphore(%arg9 : memref<!tpu.dma_semaphore, #tpu.memory_space<semaphore_mem>>)
    %dma_wait3A_147 = tpu.memref_slice %arg3[%add3A_144] : memref<20000000xf32, #tpu.memory_space<hbm>> -> memref<25000xf32, #tpu.memory_space<hbm>>
    %dma_wait3A_148 = tpu.memref_slice %arg3[%add3A_144] : memref<20000000xf32, #tpu.memory_space<hbm>> -> memref<25000xf32, #tpu.memory_space<hbm>>
    tpu.wait_dma2 semaphore(%arg9 : memref<!tpu.dma_semaphore, #tpu.memory_space<semaphore_mem>>) src(%arg5 : memref<25000xf32, #tpu.memory_space<vmem>>) dst(%dma_wait3A_148 : memref<25000xf32, #tpu.memory_space<hbm>>)
    %add3A_149 = arith.constant 325000 : i32
    %add3A_150 = arith.addi %add3A_4, %add3A_149 : i32
    %dma_start3A_151 = tpu.memref_slice %arg2[%add3A_150] : memref<20000040xf32, #tpu.memory_space<hbm>> -> memref<25000xf32, #tpu.memory_space<hbm>>
    %dma_start3A_152 = tpu.memref_slice %arg2[%add3A_150] : memref<20000040xf32, #tpu.memory_space<hbm>> -> memref<25000xf32, #tpu.memory_space<hbm>>
    tpu.enqueue_dma source(%dma_start3A_152 : memref<25000xf32, #tpu.memory_space<hbm>>) target(%arg5 : memref<25000xf32, #tpu.memory_space<vmem>>) target_semaphore(%arg7 : memref<!tpu.dma_semaphore, #tpu.memory_space<semaphore_mem>>)
    %dma_wait3A_153 = tpu.memref_slice %arg2[%add3A_138] : memref<20000040xf32, #tpu.memory_space<hbm>> -> memref<25000xf32, #tpu.memory_space<hbm>>
    %dma_wait3A_154 = tpu.memref_slice %arg2[%add3A_138] : memref<20000040xf32, #tpu.memory_space<hbm>> -> memref<25000xf32, #tpu.memory_space<hbm>>
    tpu.wait_dma2 semaphore(%arg6 : memref<!tpu.dma_semaphore, #tpu.memory_space<semaphore_mem>>) src(%dma_wait3A_154 : memref<25000xf32, #tpu.memory_space<hbm>>) dst(%arg4 : memref<25000xf32, #tpu.memory_space<vmem>>)
    %add3A_155 = arith.constant 300000 : i32
    %add3A_156 = arith.addi %mul3A_2, %add3A_155 : i32
    %dma_start3A_157 = tpu.memref_slice %arg3[%add3A_156] : memref<20000000xf32, #tpu.memory_space<hbm>> -> memref<25000xf32, #tpu.memory_space<hbm>>
    %dma_start3A_158 = tpu.memref_slice %arg3[%add3A_156] : memref<20000000xf32, #tpu.memory_space<hbm>> -> memref<25000xf32, #tpu.memory_space<hbm>>
    tpu.enqueue_dma source(%arg4 : memref<25000xf32, #tpu.memory_space<vmem>>) target(%dma_start3A_158 : memref<25000xf32, #tpu.memory_space<hbm>>) target_semaphore(%arg8 : memref<!tpu.dma_semaphore, #tpu.memory_space<semaphore_mem>>)
    %dma_wait3A_159 = tpu.memref_slice %arg3[%add3A_156] : memref<20000000xf32, #tpu.memory_space<hbm>> -> memref<25000xf32, #tpu.memory_space<hbm>>
    %dma_wait3A_160 = tpu.memref_slice %arg3[%add3A_156] : memref<20000000xf32, #tpu.memory_space<hbm>> -> memref<25000xf32, #tpu.memory_space<hbm>>
    tpu.wait_dma2 semaphore(%arg8 : memref<!tpu.dma_semaphore, #tpu.memory_space<semaphore_mem>>) src(%arg4 : memref<25000xf32, #tpu.memory_space<vmem>>) dst(%dma_wait3A_160 : memref<25000xf32, #tpu.memory_space<hbm>>)
    %add3A_161 = arith.constant 350000 : i32
    %add3A_162 = arith.addi %add3A_4, %add3A_161 : i32
    %dma_start3A_163 = tpu.memref_slice %arg2[%add3A_162] : memref<20000040xf32, #tpu.memory_space<hbm>> -> memref<25000xf32, #tpu.memory_space<hbm>>
    %dma_start3A_164 = tpu.memref_slice %arg2[%add3A_162] : memref<20000040xf32, #tpu.memory_space<hbm>> -> memref<25000xf32, #tpu.memory_space<hbm>>
    tpu.enqueue_dma source(%dma_start3A_164 : memref<25000xf32, #tpu.memory_space<hbm>>) target(%arg4 : memref<25000xf32, #tpu.memory_space<vmem>>) target_semaphore(%arg6 : memref<!tpu.dma_semaphore, #tpu.memory_space<semaphore_mem>>)
    %dma_wait3A_165 = tpu.memref_slice %arg2[%add3A_150] : memref<20000040xf32, #tpu.memory_space<hbm>> -> memref<25000xf32, #tpu.memory_space<hbm>>
    %dma_wait3A_166 = tpu.memref_slice %arg2[%add3A_150] : memref<20000040xf32, #tpu.memory_space<hbm>> -> memref<25000xf32, #tpu.memory_space<hbm>>
    tpu.wait_dma2 semaphore(%arg7 : memref<!tpu.dma_semaphore, #tpu.memory_space<semaphore_mem>>) src(%dma_wait3A_166 : memref<25000xf32, #tpu.memory_space<hbm>>) dst(%arg5 : memref<25000xf32, #tpu.memory_space<vmem>>)
    %add3A_167 = arith.constant 325000 : i32
    %add3A_168 = arith.addi %mul3A_2, %add3A_167 : i32
    %dma_start3A_169 = tpu.memref_slice %arg3[%add3A_168] : memref<20000000xf32, #tpu.memory_space<hbm>> -> memref<25000xf32, #tpu.memory_space<hbm>>
    %dma_start3A_170 = tpu.memref_slice %arg3[%add3A_168] : memref<20000000xf32, #tpu.memory_space<hbm>> -> memref<25000xf32, #tpu.memory_space<hbm>>
    tpu.enqueue_dma source(%arg5 : memref<25000xf32, #tpu.memory_space<vmem>>) target(%dma_start3A_170 : memref<25000xf32, #tpu.memory_space<hbm>>) target_semaphore(%arg9 : memref<!tpu.dma_semaphore, #tpu.memory_space<semaphore_mem>>)
    %dma_wait3A_171 = tpu.memref_slice %arg3[%add3A_168] : memref<20000000xf32, #tpu.memory_space<hbm>> -> memref<25000xf32, #tpu.memory_space<hbm>>
    %dma_wait3A_172 = tpu.memref_slice %arg3[%add3A_168] : memref<20000000xf32, #tpu.memory_space<hbm>> -> memref<25000xf32, #tpu.memory_space<hbm>>
    tpu.wait_dma2 semaphore(%arg9 : memref<!tpu.dma_semaphore, #tpu.memory_space<semaphore_mem>>) src(%arg5 : memref<25000xf32, #tpu.memory_space<vmem>>) dst(%dma_wait3A_172 : memref<25000xf32, #tpu.memory_space<hbm>>)
    %add3A_173 = arith.constant 375000 : i32
    %add3A_174 = arith.addi %add3A_4, %add3A_173 : i32
    %dma_start3A_175 = tpu.memref_slice %arg2[%add3A_174] : memref<20000040xf32, #tpu.memory_space<hbm>> -> memref<25000xf32, #tpu.memory_space<hbm>>
    %dma_start3A_176 = tpu.memref_slice %arg2[%add3A_174] : memref<20000040xf32, #tpu.memory_space<hbm>> -> memref<25000xf32, #tpu.memory_space<hbm>>
    tpu.enqueue_dma source(%dma_start3A_176 : memref<25000xf32, #tpu.memory_space<hbm>>) target(%arg5 : memref<25000xf32, #tpu.memory_space<vmem>>) target_semaphore(%arg7 : memref<!tpu.dma_semaphore, #tpu.memory_space<semaphore_mem>>)
    %dma_wait3A_177 = tpu.memref_slice %arg2[%add3A_162] : memref<20000040xf32, #tpu.memory_space<hbm>> -> memref<25000xf32, #tpu.memory_space<hbm>>
    %dma_wait3A_178 = tpu.memref_slice %arg2[%add3A_162] : memref<20000040xf32, #tpu.memory_space<hbm>> -> memref<25000xf32, #tpu.memory_space<hbm>>
    tpu.wait_dma2 semaphore(%arg6 : memref<!tpu.dma_semaphore, #tpu.memory_space<semaphore_mem>>) src(%dma_wait3A_178 : memref<25000xf32, #tpu.memory_space<hbm>>) dst(%arg4 : memref<25000xf32, #tpu.memory_space<vmem>>)
    %add3A_179 = arith.constant 350000 : i32
    %add3A_180 = arith.addi %mul3A_2, %add3A_179 : i32
    %dma_start3A_181 = tpu.memref_slice %arg3[%add3A_180] : memref<20000000xf32, #tpu.memory_space<hbm>> -> memref<25000xf32, #tpu.memory_space<hbm>>
    %dma_start3A_182 = tpu.memref_slice %arg3[%add3A_180] : memref<20000000xf32, #tpu.memory_space<hbm>> -> memref<25000xf32, #tpu.memory_space<hbm>>
    tpu.enqueue_dma source(%arg4 : memref<25000xf32, #tpu.memory_space<vmem>>) target(%dma_start3A_182 : memref<25000xf32, #tpu.memory_space<hbm>>) target_semaphore(%arg8 : memref<!tpu.dma_semaphore, #tpu.memory_space<semaphore_mem>>)
    %dma_wait3A_183 = tpu.memref_slice %arg3[%add3A_180] : memref<20000000xf32, #tpu.memory_space<hbm>> -> memref<25000xf32, #tpu.memory_space<hbm>>
    %dma_wait3A_184 = tpu.memref_slice %arg3[%add3A_180] : memref<20000000xf32, #tpu.memory_space<hbm>> -> memref<25000xf32, #tpu.memory_space<hbm>>
    tpu.wait_dma2 semaphore(%arg8 : memref<!tpu.dma_semaphore, #tpu.memory_space<semaphore_mem>>) src(%arg4 : memref<25000xf32, #tpu.memory_space<vmem>>) dst(%dma_wait3A_184 : memref<25000xf32, #tpu.memory_space<hbm>>)
    %add3A_185 = arith.constant 400000 : i32
    %add3A_186 = arith.addi %add3A_4, %add3A_185 : i32
    %dma_start3A_187 = tpu.memref_slice %arg2[%add3A_186] : memref<20000040xf32, #tpu.memory_space<hbm>> -> memref<25000xf32, #tpu.memory_space<hbm>>
    %dma_start3A_188 = tpu.memref_slice %arg2[%add3A_186] : memref<20000040xf32, #tpu.memory_space<hbm>> -> memref<25000xf32, #tpu.memory_space<hbm>>
    tpu.enqueue_dma source(%dma_start3A_188 : memref<25000xf32, #tpu.memory_space<hbm>>) target(%arg4 : memref<25000xf32, #tpu.memory_space<vmem>>) target_semaphore(%arg6 : memref<!tpu.dma_semaphore, #tpu.memory_space<semaphore_mem>>)
    %dma_wait3A_189 = tpu.memref_slice %arg2[%add3A_174] : memref<20000040xf32, #tpu.memory_space<hbm>> -> memref<25000xf32, #tpu.memory_space<hbm>>
    %dma_wait3A_190 = tpu.memref_slice %arg2[%add3A_174] : memref<20000040xf32, #tpu.memory_space<hbm>> -> memref<25000xf32, #tpu.memory_space<hbm>>
    tpu.wait_dma2 semaphore(%arg7 : memref<!tpu.dma_semaphore, #tpu.memory_space<semaphore_mem>>) src(%dma_wait3A_190 : memref<25000xf32, #tpu.memory_space<hbm>>) dst(%arg5 : memref<25000xf32, #tpu.memory_space<vmem>>)
    %add3A_191 = arith.constant 375000 : i32
    %add3A_192 = arith.addi %mul3A_2, %add3A_191 : i32
    %dma_start3A_193 = tpu.memref_slice %arg3[%add3A_192] : memref<20000000xf32, #tpu.memory_space<hbm>> -> memref<25000xf32, #tpu.memory_space<hbm>>
    %dma_start3A_194 = tpu.memref_slice %arg3[%add3A_192] : memref<20000000xf32, #tpu.memory_space<hbm>> -> memref<25000xf32, #tpu.memory_space<hbm>>
    tpu.enqueue_dma source(%arg5 : memref<25000xf32, #tpu.memory_space<vmem>>) target(%dma_start3A_194 : memref<25000xf32, #tpu.memory_space<hbm>>) target_semaphore(%arg9 : memref<!tpu.dma_semaphore, #tpu.memory_space<semaphore_mem>>)
    %dma_wait3A_195 = tpu.memref_slice %arg3[%add3A_192] : memref<20000000xf32, #tpu.memory_space<hbm>> -> memref<25000xf32, #tpu.memory_space<hbm>>
    %dma_wait3A_196 = tpu.memref_slice %arg3[%add3A_192] : memref<20000000xf32, #tpu.memory_space<hbm>> -> memref<25000xf32, #tpu.memory_space<hbm>>
    tpu.wait_dma2 semaphore(%arg9 : memref<!tpu.dma_semaphore, #tpu.memory_space<semaphore_mem>>) src(%arg5 : memref<25000xf32, #tpu.memory_space<vmem>>) dst(%dma_wait3A_196 : memref<25000xf32, #tpu.memory_space<hbm>>)
    %add3A_197 = arith.constant 425000 : i32
    %add3A_198 = arith.addi %add3A_4, %add3A_197 : i32
    %dma_start3A_199 = tpu.memref_slice %arg2[%add3A_198] : memref<20000040xf32, #tpu.memory_space<hbm>> -> memref<25000xf32, #tpu.memory_space<hbm>>
    %dma_start3A_200 = tpu.memref_slice %arg2[%add3A_198] : memref<20000040xf32, #tpu.memory_space<hbm>> -> memref<25000xf32, #tpu.memory_space<hbm>>
    tpu.enqueue_dma source(%dma_start3A_200 : memref<25000xf32, #tpu.memory_space<hbm>>) target(%arg5 : memref<25000xf32, #tpu.memory_space<vmem>>) target_semaphore(%arg7 : memref<!tpu.dma_semaphore, #tpu.memory_space<semaphore_mem>>)
    %dma_wait3A_201 = tpu.memref_slice %arg2[%add3A_186] : memref<20000040xf32, #tpu.memory_space<hbm>> -> memref<25000xf32, #tpu.memory_space<hbm>>
    %dma_wait3A_202 = tpu.memref_slice %arg2[%add3A_186] : memref<20000040xf32, #tpu.memory_space<hbm>> -> memref<25000xf32, #tpu.memory_space<hbm>>
    tpu.wait_dma2 semaphore(%arg6 : memref<!tpu.dma_semaphore, #tpu.memory_space<semaphore_mem>>) src(%dma_wait3A_202 : memref<25000xf32, #tpu.memory_space<hbm>>) dst(%arg4 : memref<25000xf32, #tpu.memory_space<vmem>>)
    %add3A_203 = arith.constant 400000 : i32
    %add3A_204 = arith.addi %mul3A_2, %add3A_203 : i32
    %dma_start3A_205 = tpu.memref_slice %arg3[%add3A_204] : memref<20000000xf32, #tpu.memory_space<hbm>> -> memref<25000xf32, #tpu.memory_space<hbm>>
    %dma_start3A_206 = tpu.memref_slice %arg3[%add3A_204] : memref<20000000xf32, #tpu.memory_space<hbm>> -> memref<25000xf32, #tpu.memory_space<hbm>>
    tpu.enqueue_dma source(%arg4 : memref<25000xf32, #tpu.memory_space<vmem>>) target(%dma_start3A_206 : memref<25000xf32, #tpu.memory_space<hbm>>) target_semaphore(%arg8 : memref<!tpu.dma_semaphore, #tpu.memory_space<semaphore_mem>>)
    %dma_wait3A_207 = tpu.memref_slice %arg3[%add3A_204] : memref<20000000xf32, #tpu.memory_space<hbm>> -> memref<25000xf32, #tpu.memory_space<hbm>>
    %dma_wait3A_208 = tpu.memref_slice %arg3[%add3A_204] : memref<20000000xf32, #tpu.memory_space<hbm>> -> memref<25000xf32, #tpu.memory_space<hbm>>
    tpu.wait_dma2 semaphore(%arg8 : memref<!tpu.dma_semaphore, #tpu.memory_space<semaphore_mem>>) src(%arg4 : memref<25000xf32, #tpu.memory_space<vmem>>) dst(%dma_wait3A_208 : memref<25000xf32, #tpu.memory_space<hbm>>)
    %add3A_209 = arith.constant 450000 : i32
    %add3A_210 = arith.addi %add3A_4, %add3A_209 : i32
    %dma_start3A_211 = tpu.memref_slice %arg2[%add3A_210] : memref<20000040xf32, #tpu.memory_space<hbm>> -> memref<25000xf32, #tpu.memory_space<hbm>>
    %dma_start3A_212 = tpu.memref_slice %arg2[%add3A_210] : memref<20000040xf32, #tpu.memory_space<hbm>> -> memref<25000xf32, #tpu.memory_space<hbm>>
    tpu.enqueue_dma source(%dma_start3A_212 : memref<25000xf32, #tpu.memory_space<hbm>>) target(%arg4 : memref<25000xf32, #tpu.memory_space<vmem>>) target_semaphore(%arg6 : memref<!tpu.dma_semaphore, #tpu.memory_space<semaphore_mem>>)
    %dma_wait3A_213 = tpu.memref_slice %arg2[%add3A_198] : memref<20000040xf32, #tpu.memory_space<hbm>> -> memref<25000xf32, #tpu.memory_space<hbm>>
    %dma_wait3A_214 = tpu.memref_slice %arg2[%add3A_198] : memref<20000040xf32, #tpu.memory_space<hbm>> -> memref<25000xf32, #tpu.memory_space<hbm>>
    tpu.wait_dma2 semaphore(%arg7 : memref<!tpu.dma_semaphore, #tpu.memory_space<semaphore_mem>>) src(%dma_wait3A_214 : memref<25000xf32, #tpu.memory_space<hbm>>) dst(%arg5 : memref<25000xf32, #tpu.memory_space<vmem>>)
    %add3A_215 = arith.constant 425000 : i32
    %add3A_216 = arith.addi %mul3A_2, %add3A_215 : i32
    %dma_start3A_217 = tpu.memref_slice %arg3[%add3A_216] : memref<20000000xf32, #tpu.memory_space<hbm>> -> memref<25000xf32, #tpu.memory_space<hbm>>
    %dma_start3A_218 = tpu.memref_slice %arg3[%add3A_216] : memref<20000000xf32, #tpu.memory_space<hbm>> -> memref<25000xf32, #tpu.memory_space<hbm>>
    tpu.enqueue_dma source(%arg5 : memref<25000xf32, #tpu.memory_space<vmem>>) target(%dma_start3A_218 : memref<25000xf32, #tpu.memory_space<hbm>>) target_semaphore(%arg9 : memref<!tpu.dma_semaphore, #tpu.memory_space<semaphore_mem>>)
    %dma_wait3A_219 = tpu.memref_slice %arg3[%add3A_216] : memref<20000000xf32, #tpu.memory_space<hbm>> -> memref<25000xf32, #tpu.memory_space<hbm>>
    %dma_wait3A_220 = tpu.memref_slice %arg3[%add3A_216] : memref<20000000xf32, #tpu.memory_space<hbm>> -> memref<25000xf32, #tpu.memory_space<hbm>>
    tpu.wait_dma2 semaphore(%arg9 : memref<!tpu.dma_semaphore, #tpu.memory_space<semaphore_mem>>) src(%arg5 : memref<25000xf32, #tpu.memory_space<vmem>>) dst(%dma_wait3A_220 : memref<25000xf32, #tpu.memory_space<hbm>>)
    %add3A_221 = arith.constant 475000 : i32
    %add3A_222 = arith.addi %add3A_4, %add3A_221 : i32
    %dma_start3A_223 = tpu.memref_slice %arg2[%add3A_222] : memref<20000040xf32, #tpu.memory_space<hbm>> -> memref<25000xf32, #tpu.memory_space<hbm>>
    %dma_start3A_224 = tpu.memref_slice %arg2[%add3A_222] : memref<20000040xf32, #tpu.memory_space<hbm>> -> memref<25000xf32, #tpu.memory_space<hbm>>
    tpu.enqueue_dma source(%dma_start3A_224 : memref<25000xf32, #tpu.memory_space<hbm>>) target(%arg5 : memref<25000xf32, #tpu.memory_space<vmem>>) target_semaphore(%arg7 : memref<!tpu.dma_semaphore, #tpu.memory_space<semaphore_mem>>)
    %dma_wait3A_225 = tpu.memref_slice %arg2[%add3A_210] : memref<20000040xf32, #tpu.memory_space<hbm>> -> memref<25000xf32, #tpu.memory_space<hbm>>
    %dma_wait3A_226 = tpu.memref_slice %arg2[%add3A_210] : memref<20000040xf32, #tpu.memory_space<hbm>> -> memref<25000xf32, #tpu.memory_space<hbm>>
    tpu.wait_dma2 semaphore(%arg6 : memref<!tpu.dma_semaphore, #tpu.memory_space<semaphore_mem>>) src(%dma_wait3A_226 : memref<25000xf32, #tpu.memory_space<hbm>>) dst(%arg4 : memref<25000xf32, #tpu.memory_space<vmem>>)
    %add3A_227 = arith.constant 450000 : i32
    %add3A_228 = arith.addi %mul3A_2, %add3A_227 : i32
    %dma_start3A_229 = tpu.memref_slice %arg3[%add3A_228] : memref<20000000xf32, #tpu.memory_space<hbm>> -> memref<25000xf32, #tpu.memory_space<hbm>>
    %dma_start3A_230 = tpu.memref_slice %arg3[%add3A_228] : memref<20000000xf32, #tpu.memory_space<hbm>> -> memref<25000xf32, #tpu.memory_space<hbm>>
    tpu.enqueue_dma source(%arg4 : memref<25000xf32, #tpu.memory_space<vmem>>) target(%dma_start3A_230 : memref<25000xf32, #tpu.memory_space<hbm>>) target_semaphore(%arg8 : memref<!tpu.dma_semaphore, #tpu.memory_space<semaphore_mem>>)
    %dma_wait3A_231 = tpu.memref_slice %arg3[%add3A_228] : memref<20000000xf32, #tpu.memory_space<hbm>> -> memref<25000xf32, #tpu.memory_space<hbm>>
    %dma_wait3A_232 = tpu.memref_slice %arg3[%add3A_228] : memref<20000000xf32, #tpu.memory_space<hbm>> -> memref<25000xf32, #tpu.memory_space<hbm>>
    tpu.wait_dma2 semaphore(%arg8 : memref<!tpu.dma_semaphore, #tpu.memory_space<semaphore_mem>>) src(%arg4 : memref<25000xf32, #tpu.memory_space<vmem>>) dst(%dma_wait3A_232 : memref<25000xf32, #tpu.memory_space<hbm>>)
    %add3A_233 = arith.constant 500000 : i32
    %add3A_234 = arith.addi %add3A_4, %add3A_233 : i32
    %dma_start3A_235 = tpu.memref_slice %arg2[%add3A_234] : memref<20000040xf32, #tpu.memory_space<hbm>> -> memref<25000xf32, #tpu.memory_space<hbm>>
    %dma_start3A_236 = tpu.memref_slice %arg2[%add3A_234] : memref<20000040xf32, #tpu.memory_space<hbm>> -> memref<25000xf32, #tpu.memory_space<hbm>>
    tpu.enqueue_dma source(%dma_start3A_236 : memref<25000xf32, #tpu.memory_space<hbm>>) target(%arg4 : memref<25000xf32, #tpu.memory_space<vmem>>) target_semaphore(%arg6 : memref<!tpu.dma_semaphore, #tpu.memory_space<semaphore_mem>>)
    %dma_wait3A_237 = tpu.memref_slice %arg2[%add3A_222] : memref<20000040xf32, #tpu.memory_space<hbm>> -> memref<25000xf32, #tpu.memory_space<hbm>>
    %dma_wait3A_238 = tpu.memref_slice %arg2[%add3A_222] : memref<20000040xf32, #tpu.memory_space<hbm>> -> memref<25000xf32, #tpu.memory_space<hbm>>
    tpu.wait_dma2 semaphore(%arg7 : memref<!tpu.dma_semaphore, #tpu.memory_space<semaphore_mem>>) src(%dma_wait3A_238 : memref<25000xf32, #tpu.memory_space<hbm>>) dst(%arg5 : memref<25000xf32, #tpu.memory_space<vmem>>)
    %add3A_239 = arith.constant 475000 : i32
    %add3A_240 = arith.addi %mul3A_2, %add3A_239 : i32
    %dma_start3A_241 = tpu.memref_slice %arg3[%add3A_240] : memref<20000000xf32, #tpu.memory_space<hbm>> -> memref<25000xf32, #tpu.memory_space<hbm>>
    %dma_start3A_242 = tpu.memref_slice %arg3[%add3A_240] : memref<20000000xf32, #tpu.memory_space<hbm>> -> memref<25000xf32, #tpu.memory_space<hbm>>
    tpu.enqueue_dma source(%arg5 : memref<25000xf32, #tpu.memory_space<vmem>>) target(%dma_start3A_242 : memref<25000xf32, #tpu.memory_space<hbm>>) target_semaphore(%arg9 : memref<!tpu.dma_semaphore, #tpu.memory_space<semaphore_mem>>)
    %dma_wait3A_243 = tpu.memref_slice %arg3[%add3A_240] : memref<20000000xf32, #tpu.memory_space<hbm>> -> memref<25000xf32, #tpu.memory_space<hbm>>
    %dma_wait3A_244 = tpu.memref_slice %arg3[%add3A_240] : memref<20000000xf32, #tpu.memory_space<hbm>> -> memref<25000xf32, #tpu.memory_space<hbm>>
    tpu.wait_dma2 semaphore(%arg9 : memref<!tpu.dma_semaphore, #tpu.memory_space<semaphore_mem>>) src(%arg5 : memref<25000xf32, #tpu.memory_space<vmem>>) dst(%dma_wait3A_244 : memref<25000xf32, #tpu.memory_space<hbm>>)
    %add3A_245 = arith.constant 525000 : i32
    %add3A_246 = arith.addi %add3A_4, %add3A_245 : i32
    %dma_start3A_247 = tpu.memref_slice %arg2[%add3A_246] : memref<20000040xf32, #tpu.memory_space<hbm>> -> memref<25000xf32, #tpu.memory_space<hbm>>
    %dma_start3A_248 = tpu.memref_slice %arg2[%add3A_246] : memref<20000040xf32, #tpu.memory_space<hbm>> -> memref<25000xf32, #tpu.memory_space<hbm>>
    tpu.enqueue_dma source(%dma_start3A_248 : memref<25000xf32, #tpu.memory_space<hbm>>) target(%arg5 : memref<25000xf32, #tpu.memory_space<vmem>>) target_semaphore(%arg7 : memref<!tpu.dma_semaphore, #tpu.memory_space<semaphore_mem>>)
    %dma_wait3A_249 = tpu.memref_slice %arg2[%add3A_234] : memref<20000040xf32, #tpu.memory_space<hbm>> -> memref<25000xf32, #tpu.memory_space<hbm>>
    %dma_wait3A_250 = tpu.memref_slice %arg2[%add3A_234] : memref<20000040xf32, #tpu.memory_space<hbm>> -> memref<25000xf32, #tpu.memory_space<hbm>>
    tpu.wait_dma2 semaphore(%arg6 : memref<!tpu.dma_semaphore, #tpu.memory_space<semaphore_mem>>) src(%dma_wait3A_250 : memref<25000xf32, #tpu.memory_space<hbm>>) dst(%arg4 : memref<25000xf32, #tpu.memory_space<vmem>>)
    %add3A_251 = arith.constant 500000 : i32
    %add3A_252 = arith.addi %mul3A_2, %add3A_251 : i32
    %dma_start3A_253 = tpu.memref_slice %arg3[%add3A_252] : memref<20000000xf32, #tpu.memory_space<hbm>> -> memref<25000xf32, #tpu.memory_space<hbm>>
    %dma_start3A_254 = tpu.memref_slice %arg3[%add3A_252] : memref<20000000xf32, #tpu.memory_space<hbm>> -> memref<25000xf32, #tpu.memory_space<hbm>>
    tpu.enqueue_dma source(%arg4 : memref<25000xf32, #tpu.memory_space<vmem>>) target(%dma_start3A_254 : memref<25000xf32, #tpu.memory_space<hbm>>) target_semaphore(%arg8 : memref<!tpu.dma_semaphore, #tpu.memory_space<semaphore_mem>>)
    %dma_wait3A_255 = tpu.memref_slice %arg3[%add3A_252] : memref<20000000xf32, #tpu.memory_space<hbm>> -> memref<25000xf32, #tpu.memory_space<hbm>>
    %dma_wait3A_256 = tpu.memref_slice %arg3[%add3A_252] : memref<20000000xf32, #tpu.memory_space<hbm>> -> memref<25000xf32, #tpu.memory_space<hbm>>
    tpu.wait_dma2 semaphore(%arg8 : memref<!tpu.dma_semaphore, #tpu.memory_space<semaphore_mem>>) src(%arg4 : memref<25000xf32, #tpu.memory_space<vmem>>) dst(%dma_wait3A_256 : memref<25000xf32, #tpu.memory_space<hbm>>)
    %add3A_257 = arith.constant 550000 : i32
    %add3A_258 = arith.addi %add3A_4, %add3A_257 : i32
    %dma_start3A_259 = tpu.memref_slice %arg2[%add3A_258] : memref<20000040xf32, #tpu.memory_space<hbm>> -> memref<25000xf32, #tpu.memory_space<hbm>>
    %dma_start3A_260 = tpu.memref_slice %arg2[%add3A_258] : memref<20000040xf32, #tpu.memory_space<hbm>> -> memref<25000xf32, #tpu.memory_space<hbm>>
    tpu.enqueue_dma source(%dma_start3A_260 : memref<25000xf32, #tpu.memory_space<hbm>>) target(%arg4 : memref<25000xf32, #tpu.memory_space<vmem>>) target_semaphore(%arg6 : memref<!tpu.dma_semaphore, #tpu.memory_space<semaphore_mem>>)
    %dma_wait3A_261 = tpu.memref_slice %arg2[%add3A_246] : memref<20000040xf32, #tpu.memory_space<hbm>> -> memref<25000xf32, #tpu.memory_space<hbm>>
    %dma_wait3A_262 = tpu.memref_slice %arg2[%add3A_246] : memref<20000040xf32, #tpu.memory_space<hbm>> -> memref<25000xf32, #tpu.memory_space<hbm>>
    tpu.wait_dma2 semaphore(%arg7 : memref<!tpu.dma_semaphore, #tpu.memory_space<semaphore_mem>>) src(%dma_wait3A_262 : memref<25000xf32, #tpu.memory_space<hbm>>) dst(%arg5 : memref<25000xf32, #tpu.memory_space<vmem>>)
    %add3A_263 = arith.constant 525000 : i32
    %add3A_264 = arith.addi %mul3A_2, %add3A_263 : i32
    %dma_start3A_265 = tpu.memref_slice %arg3[%add3A_264] : memref<20000000xf32, #tpu.memory_space<hbm>> -> memref<25000xf32, #tpu.memory_space<hbm>>
    %dma_start3A_266 = tpu.memref_slice %arg3[%add3A_264] : memref<20000000xf32, #tpu.memory_space<hbm>> -> memref<25000xf32, #tpu.memory_space<hbm>>
    tpu.enqueue_dma source(%arg5 : memref<25000xf32, #tpu.memory_space<vmem>>) target(%dma_start3A_266 : memref<25000xf32, #tpu.memory_space<hbm>>) target_semaphore(%arg9 : memref<!tpu.dma_semaphore, #tpu.memory_space<semaphore_mem>>)
    %dma_wait3A_267 = tpu.memref_slice %arg3[%add3A_264] : memref<20000000xf32, #tpu.memory_space<hbm>> -> memref<25000xf32, #tpu.memory_space<hbm>>
    %dma_wait3A_268 = tpu.memref_slice %arg3[%add3A_264] : memref<20000000xf32, #tpu.memory_space<hbm>> -> memref<25000xf32, #tpu.memory_space<hbm>>
    tpu.wait_dma2 semaphore(%arg9 : memref<!tpu.dma_semaphore, #tpu.memory_space<semaphore_mem>>) src(%arg5 : memref<25000xf32, #tpu.memory_space<vmem>>) dst(%dma_wait3A_268 : memref<25000xf32, #tpu.memory_space<hbm>>)
    %add3A_269 = arith.constant 575000 : i32
    %add3A_270 = arith.addi %add3A_4, %add3A_269 : i32
    %dma_start3A_271 = tpu.memref_slice %arg2[%add3A_270] : memref<20000040xf32, #tpu.memory_space<hbm>> -> memref<25000xf32, #tpu.memory_space<hbm>>
    %dma_start3A_272 = tpu.memref_slice %arg2[%add3A_270] : memref<20000040xf32, #tpu.memory_space<hbm>> -> memref<25000xf32, #tpu.memory_space<hbm>>
    tpu.enqueue_dma source(%dma_start3A_272 : memref<25000xf32, #tpu.memory_space<hbm>>) target(%arg5 : memref<25000xf32, #tpu.memory_space<vmem>>) target_semaphore(%arg7 : memref<!tpu.dma_semaphore, #tpu.memory_space<semaphore_mem>>)
    %dma_wait3A_273 = tpu.memref_slice %arg2[%add3A_258] : memref<20000040xf32, #tpu.memory_space<hbm>> -> memref<25000xf32, #tpu.memory_space<hbm>>
    %dma_wait3A_274 = tpu.memref_slice %arg2[%add3A_258] : memref<20000040xf32, #tpu.memory_space<hbm>> -> memref<25000xf32, #tpu.memory_space<hbm>>
    tpu.wait_dma2 semaphore(%arg6 : memref<!tpu.dma_semaphore, #tpu.memory_space<semaphore_mem>>) src(%dma_wait3A_274 : memref<25000xf32, #tpu.memory_space<hbm>>) dst(%arg4 : memref<25000xf32, #tpu.memory_space<vmem>>)
    %add3A_275 = arith.constant 550000 : i32
    %add3A_276 = arith.addi %mul3A_2, %add3A_275 : i32
    %dma_start3A_277 = tpu.memref_slice %arg3[%add3A_276] : memref<20000000xf32, #tpu.memory_space<hbm>> -> memref<25000xf32, #tpu.memory_space<hbm>>
    %dma_start3A_278 = tpu.memref_slice %arg3[%add3A_276] : memref<20000000xf32, #tpu.memory_space<hbm>> -> memref<25000xf32, #tpu.memory_space<hbm>>
    tpu.enqueue_dma source(%arg4 : memref<25000xf32, #tpu.memory_space<vmem>>) target(%dma_start3A_278 : memref<25000xf32, #tpu.memory_space<hbm>>) target_semaphore(%arg8 : memref<!tpu.dma_semaphore, #tpu.memory_space<semaphore_mem>>)
    %dma_wait3A_279 = tpu.memref_slice %arg3[%add3A_276] : memref<20000000xf32, #tpu.memory_space<hbm>> -> memref<25000xf32, #tpu.memory_space<hbm>>
    %dma_wait3A_280 = tpu.memref_slice %arg3[%add3A_276] : memref<20000000xf32, #tpu.memory_space<hbm>> -> memref<25000xf32, #tpu.memory_space<hbm>>
    tpu.wait_dma2 semaphore(%arg8 : memref<!tpu.dma_semaphore, #tpu.memory_space<semaphore_mem>>) src(%arg4 : memref<25000xf32, #tpu.memory_space<vmem>>) dst(%dma_wait3A_280 : memref<25000xf32, #tpu.memory_space<hbm>>)
    %add3A_281 = arith.constant 600000 : i32
    %add3A_282 = arith.addi %add3A_4, %add3A_281 : i32
    %dma_start3A_283 = tpu.memref_slice %arg2[%add3A_282] : memref<20000040xf32, #tpu.memory_space<hbm>> -> memref<25000xf32, #tpu.memory_space<hbm>>
    %dma_start3A_284 = tpu.memref_slice %arg2[%add3A_282] : memref<20000040xf32, #tpu.memory_space<hbm>> -> memref<25000xf32, #tpu.memory_space<hbm>>
    tpu.enqueue_dma source(%dma_start3A_284 : memref<25000xf32, #tpu.memory_space<hbm>>) target(%arg4 : memref<25000xf32, #tpu.memory_space<vmem>>) target_semaphore(%arg6 : memref<!tpu.dma_semaphore, #tpu.memory_space<semaphore_mem>>)
    %dma_wait3A_285 = tpu.memref_slice %arg2[%add3A_270] : memref<20000040xf32, #tpu.memory_space<hbm>> -> memref<25000xf32, #tpu.memory_space<hbm>>
    %dma_wait3A_286 = tpu.memref_slice %arg2[%add3A_270] : memref<20000040xf32, #tpu.memory_space<hbm>> -> memref<25000xf32, #tpu.memory_space<hbm>>
    tpu.wait_dma2 semaphore(%arg7 : memref<!tpu.dma_semaphore, #tpu.memory_space<semaphore_mem>>) src(%dma_wait3A_286 : memref<25000xf32, #tpu.memory_space<hbm>>) dst(%arg5 : memref<25000xf32, #tpu.memory_space<vmem>>)
    %add3A_287 = arith.constant 575000 : i32
    %add3A_288 = arith.addi %mul3A_2, %add3A_287 : i32
    %dma_start3A_289 = tpu.memref_slice %arg3[%add3A_288] : memref<20000000xf32, #tpu.memory_space<hbm>> -> memref<25000xf32, #tpu.memory_space<hbm>>
    %dma_start3A_290 = tpu.memref_slice %arg3[%add3A_288] : memref<20000000xf32, #tpu.memory_space<hbm>> -> memref<25000xf32, #tpu.memory_space<hbm>>
    tpu.enqueue_dma source(%arg5 : memref<25000xf32, #tpu.memory_space<vmem>>) target(%dma_start3A_290 : memref<25000xf32, #tpu.memory_space<hbm>>) target_semaphore(%arg9 : memref<!tpu.dma_semaphore, #tpu.memory_space<semaphore_mem>>)
    %dma_wait3A_291 = tpu.memref_slice %arg2[%add3A_282] : memref<20000040xf32, #tpu.memory_space<hbm>> -> memref<25000xf32, #tpu.memory_space<hbm>>
    %dma_wait3A_292 = tpu.memref_slice %arg2[%add3A_282] : memref<20000040xf32, #tpu.memory_space<hbm>> -> memref<25000xf32, #tpu.memory_space<hbm>>
    tpu.wait_dma2 semaphore(%arg6 : memref<!tpu.dma_semaphore, #tpu.memory_space<semaphore_mem>>) src(%dma_wait3A_292 : memref<25000xf32, #tpu.memory_space<hbm>>) dst(%arg4 : memref<25000xf32, #tpu.memory_space<vmem>>)
    %add3A_293 = arith.constant 600000 : i32
    %add3A_294 = arith.addi %mul3A_2, %add3A_293 : i32
    %dma_start3A_295 = tpu.memref_slice %arg3[%add3A_294] : memref<20000000xf32, #tpu.memory_space<hbm>> -> memref<25000xf32, #tpu.memory_space<hbm>>
    %dma_start3A_296 = tpu.memref_slice %arg3[%add3A_294] : memref<20000000xf32, #tpu.memory_space<hbm>> -> memref<25000xf32, #tpu.memory_space<hbm>>
    tpu.enqueue_dma source(%arg4 : memref<25000xf32, #tpu.memory_space<vmem>>) target(%dma_start3A_296 : memref<25000xf32, #tpu.memory_space<hbm>>) target_semaphore(%arg8 : memref<!tpu.dma_semaphore, #tpu.memory_space<semaphore_mem>>)
    %dma_wait3A_297 = tpu.memref_slice %arg3[%add3A_294] : memref<20000000xf32, #tpu.memory_space<hbm>> -> memref<25000xf32, #tpu.memory_space<hbm>>
    %dma_wait3A_298 = tpu.memref_slice %arg3[%add3A_294] : memref<20000000xf32, #tpu.memory_space<hbm>> -> memref<25000xf32, #tpu.memory_space<hbm>>
    tpu.wait_dma2 semaphore(%arg8 : memref<!tpu.dma_semaphore, #tpu.memory_space<semaphore_mem>>) src(%arg4 : memref<25000xf32, #tpu.memory_space<vmem>>) dst(%dma_wait3A_298 : memref<25000xf32, #tpu.memory_space<hbm>>)
    %dma_wait3A_299 = tpu.memref_slice %arg3[%add3A_288] : memref<20000000xf32, #tpu.memory_space<hbm>> -> memref<25000xf32, #tpu.memory_space<hbm>>
    %dma_wait3A_300 = tpu.memref_slice %arg3[%add3A_288] : memref<20000000xf32, #tpu.memory_space<hbm>> -> memref<25000xf32, #tpu.memory_space<hbm>>
    tpu.wait_dma2 semaphore(%arg9 : memref<!tpu.dma_semaphore, #tpu.memory_space<semaphore_mem>>) src(%arg5 : memref<25000xf32, #tpu.memory_space<vmem>>) dst(%dma_wait3A_300 : memref<25000xf32, #tpu.memory_space<hbm>>)
    return
  }
}

</mosaic_0001>

<sc_bundles>
// kernel: kernel.3.cloned.1.call-start
scs
__scs_entry_jumppad:
0x0: {  	(pc) =	sbr.rel $0x88, $3  }
0x1: {  	(tag) =	ssettag $0x0;
	lr =	simm.s32 $0x1  }
0x2: {  	[smem:$0x3FA0] =	sst lr;
	_ =	strace $0xD0000000  }
0x3: {  	_ = 	snop  }
0x4: {  	_ = 	snop  }
0x5: {  	_ = 	snop  }
0x6: {  	_ = 	snop  }
0x7: {  	_ = 	snop  }
__scs_overlays_trampoline_lowered:
0x8: {  	[smem:$0x3FAF] =	sst s0  }
0x9: {  	[smem:$0x3FB0] =	sst s1  }
0xa: {  	[smem:$0x3FB1] =	sst s2  }
0xb: {  	[smem:$0x3FB2] =	sst s3  }
0xc: {  	[smem:$0x3FB3] =	sst s4  }
0xd: {  	[smem:$0x3FB4] =	sst s5  }
0xe: {  	[smem:$0x3FB5] =	sst s6  }
0xf: {  	[smem:$0x3FB6] =	sst s7  }
0x10: {  	[smem:$0x3FB7] =	sst s8  }
0x11: {  	[smem:$0x3FB8] =	sst s9;
	s0 =	simm.s32 @!p0 $0x0  }
0x12: {  	s1 =	sld [smem:$0x3F9E];
	s0 =	simm.s32 @p0 $0x1  }
0x13: {  	[smem:$0x3FB9] =	sst s0;
	s0 =	simm.s32 @!p1 $0x0  }
0x14: {  	s2 =	sld [smem:$0x3F9D];
	s0 =	simm.s32 @p1 $0x1  }
0x15: {  	[smem:$0x3FBA] =	sst s0;
	s0 =	simm.s32 @!p2 $0x0  }
0x16: {  	s3 =	sld [smem:$0x3FDB];
	s0 =	simm.s32 @p2 $0x1  }
0x17: {  	s4 =	simm.s32 $0x1BF5;
	[smem:$0x3FBC] =	sst s0  }
0x18: {  	s0 =	sld [smem:$0x3F9F];
	_ =	swait.ge [sflag:s4], $0x0  }
0x19: {  	s7 =	sld [smem:$0x3FA0]  }
0x1a: {  	s8 =	sadd.s32 $0xFFFFE003, lr  }
0x1b: {  	s9 =	sadd.s32 $0xFFFFFEF7, lr;
	s5 =	simm.s32 $0xFFFFFFFF;
	p2 =	slt.u32 s8, $0xFFFFF086  }
0x1c: {  	p1 =	slt.u32 s9, $0xF7A;
	s5 =	simm.s32 @!p2 $0x0  }
0x1d: {  	s5 =	simm.s32 @p1 $0x1;
	p0 =	seq.s32 s7, s2  }
0x1e: {  	s7 =	smul.u32 @!p0 $0xF7A, s2;
	p2 =	seq.s32 @!p0 s5, $0x0  }
0x1f: {  	s9 =	smul.u32 $0xF7A, s1;
	s8 =	simm.s32 @!p0 $0x1BF5;
	p2 =	por !p2, p0  }
0x20: {  	[sflag:s8] =	ssyncset.s32 @!p0 $0xFFFFF086;
	s6 =	sadd.s32 @!p0 s3, s7;
	s7 =	simm.s32 @!p0 $0x108  }
0x21: {  	s3 =	sadd.s32 s3, s9;
	s6 =	sadd.s32 @!p0 $0x88, s6;
	s7 =	simm.s32 @p2 $0x1082  }
0x22: {  	[simem:s7], [sflag:s8] =	dma.local @!p0 [hbm:s6], $0xF7A  }
0x23: {  	s9 =	sor.u32 $0xD0000000, s2;
	s6 =	simm.s32 $0x108;
	_ =	swait.ge @!p0 [sflag:s8], $0x0  }
0x24: {  	s3 =	sadd.s32 $0x88, s3;
	s6 =	simm.s32 @!p1 $0x1082;
	[sflag:s4] =	ssyncset.s32 $0xFFFFF086  }
0x25: {  	[simem:s6], [sflag:s4] =	dma.local [hbm:s3], $0xF7A  }
0x26: {  	[smem:$0x3FA0] =	sst s1;
	(tag) =	ssettag s2;
	_ =	strace s9  }
0x27: {  	s1 =	sld [smem:$0x3FB0]  }
0x28: {  	s2 =	sld [smem:$0x3FB1]  }
0x29: {  	s4 =	sld [smem:$0x3FB3]  }
0x2a: {  	p0 =	seq.s32 s5, $0x0;
	s5 =	sld [smem:$0x3FB4]  }
0x2b: {  	s6 =	sld [smem:$0x3FB5]  }
0x2c: {  	s7 =	sld [smem:$0x3FB6]  }
0x2d: {  	s3 =	simm.s32 $0x108;
	s8 =	sld [smem:$0x3FB7]  }
0x2e: {  	s3 =	simm.s32 @!p0 $0x1082;
	s9 =	sld [smem:$0x3FB8]  }
0x2f: {  	lr =	sadd.s32 s0, s3;
	s0 =	sld [smem:$0x3FAF]  }
0x30: {  	s3 =	sld [smem:$0x3FB2]  }
0x31: {  	[smem:$0x3FBB] =	sst s10  }
0x32: {  	s10 =	sld [smem:$0x3FB9];
	_ =	sdelay $0x3  }
0x33: {  	p0 =	seq.s32 s10, $0x1;
	s10 =	sld [smem:$0x3FBB];
	_ =	sdelay $0x3  }
0x34: {  	[smem:$0x3FBB] =	sst s10  }
0x35: {  	s10 =	sld [smem:$0x3FBA];
	_ =	sdelay $0x3  }
0x36: {  	p1 =	seq.s32 s10, $0x1;
	s10 =	sld [smem:$0x3FBB];
	_ =	sdelay $0x3  }
0x37: {  	[smem:$0x3FBB] =	sst s10  }
0x38: {  	s10 =	sld [smem:$0x3FBC]  }
0x39: {  	_ = 	snop;
	(pc) =	sbr.ind lr, $3  }
0x3a: {  	_ = 	snop  }
0x3b: {  	_ = 	snop  }
0x3c: {  	p2 =	seq.s32 s10, $0x1;
	s10 =	sld [smem:$0x3FBB]  }
0x3d: {  	_ =	shalt  }
0x3e: {  	_ =	shalt  }
0x3f: {  	_ =	shalt  }
0x40: {  	_ =	shalt  }
0x41: {  	_ =	shalt  }
0x42: {  	_ =	shalt  }
0x43: {  	_ =	shalt  }
0x44: {  	_ =	shalt  }
0x45: {  	_ =	shalt  }
0x46: {  	_ =	shalt  }
0x47: {  	_ =	shalt  }
0x48: {  	_ =	shalt  }
0x49: {  	_ =	shalt  }
0x4a: {  	_ =	shalt  }
0x4b: {  	_ =	shalt  }
0x4c: {  	_ =	shalt  }
0x4d: {  	_ =	shalt  }
0x4e: {  	_ =	shalt  }
0x4f: {  	_ =	shalt  }
0x50: {  	_ =	shalt  }
0x51: {  	_ =	shalt  }
0x52: {  	_ =	shalt  }
0x53: {  	_ =	shalt  }
0x54: {  	_ =	shalt  }
0x55: {  	_ =	shalt  }
0x56: {  	_ =	shalt  }
0x57: {  	_ =	shalt  }
0x58: {  	_ =	shalt  }
0x59: {  	_ =	shalt  }
0x5a: {  	_ =	shalt  }
0x5b: {  	_ =	shalt  }
0x5c: {  	_ =	shalt  }
0x5d: {  	_ =	shalt  }
0x5e: {  	_ =	shalt  }
0x5f: {  	_ =	shalt  }
0x60: {  	_ =	shalt  }
0x61: {  	_ =	shalt  }
0x62: {  	_ =	shalt  }
0x63: {  	_ =	shalt  }
0x64: {  	_ =	shalt  }
0x65: {  	_ =	shalt  }
0x66: {  	_ =	shalt  }
0x67: {  	_ =	shalt  }
0x68: {  	_ =	shalt  }
0x69: {  	_ =	shalt  }
0x6a: {  	_ =	shalt  }
0x6b: {  	_ =	shalt  }
0x6c: {  	_ =	shalt  }
0x6d: {  	_ =	shalt  }
0x6e: {  	_ =	shalt  }
0x6f: {  	_ =	shalt  }
0x70: {  	_ =	shalt  }
0x71: {  	_ =	shalt  }
0x72: {  	_ =	shalt  }
0x73: {  	_ =	shalt  }
0x74: {  	_ =	shalt  }
0x75: {  	_ =	shalt  }
0x76: {  	_ =	shalt  }
0x77: {  	_ =	shalt  }
0x78: {  	_ =	shalt  }
0x79: {  	_ =	shalt  }
0x7a: {  	_ =	shalt  }
0x7b: {  	_ =	shalt  }
0x7c: {  	_ =	shalt  }
0x7d: {  	_ =	shalt  }
0x7e: {  	_ =	shalt  }
0x7f: {  	_ =	shalt  }
0x80: {  	_ =	shalt  }
0x81: {  	_ =	shalt  }
0x82: {  	_ =	shalt  }
0x83: {  	_ =	shalt  }
0x84: {  	_ =	shalt  }
0x85: {  	_ =	shalt  }
0x86: {  	_ =	shalt  }
0x87: {  	_ =	shalt  }
.Lfunc_end0:
.L_simem_size_0:
called_computation.1_lowered:
.L_overlay_start_0:
0x88: {  	s2 =	sld [smem:$0x3FD9]  }
0x89: {  	s3 =	sld [smem:$0x3FFE];
	_ =	sdelay $0x1  }
0x8a: {  	s1 =	srdreg.scid  }
0x8b: {  	s0 =	sand.u32 $0x1, s1  }
0x8c: {  	s17 =	sshll.u32 s0, $0xA;
	s2 =	sadd.s32 s3, s2  }
0x8d: {  	s2 =	sadd.s32 s2, s17  }
0x8e: {  	[smem:$0x3FC7] =	sst s2  }
0x8f: {  	_ = 	snop  }
0x90: {  	s2 =	sld [smem:$0x3FD0];
	(tm) =	ssettm $0x1  }
0x91: {  	s18 =	sld [smem:$0x3FFB];
	_ =	sdelay $0x3  }
0x92: {  	_ =	strace s18  }
0x93: {  	s3 =	sld [smem:$0x3FFC];
	_ =	sdelay $0x3  }
0x94: {  	_ =	strace s3  }
0x95: {  	s3 =	sld [smem:$0x3FFD];
	_ =	sdelay $0x3  }
0x96: {  	_ =	strace s3  }
0x97: {  	_ =	strace $0x8FFFFFFF  }
0x98: {  	s19 =	sld [smem:$0x3FDB];
	_ =	sdelay $0x1  }
0x99: {  	s4 =	simm.s32 $_scs_section_size  }
0x9a: {  	s5 =	simm.s32 $_size__tile_overlayer_lowered;
	s6 =	simm.s32 $_tile_overlayer_lowered  }
0x9b: {  	s22 =	simm.s32 $0x1BFF;
	s21 =	sshll.u32 s6, $0x1;
	s3 =	sadd.s32 s4, s19  }
0x9c: {  	s7 =	simm.s32 $0x0;
	s20 =	sshll.u32 s5, $0x1;
	s5 =	sadd.s32 s21, s3  }
0x9d: {  	[timem:s7], [sflag:s22] =	dma.local [hbm:s5], s20  }
0x9e: {  	_ =	swait.ge [sflag:s22], s20  }
0x9f: {  	s4 =	ssub.s32 $0x0, s20;
	[sflag:s22] =	ssyncset.done $0x0  }
0xa0: {  	[sflag:s22] =	ssyncadd.s32 s4;
	_ =	sdelay $0x1  }
0xa1: {  	s23 =	simm.s32 $0x1B8B  }
0xa2: {  	_ =	swait.ge [sflag:s23], $0x1  }
0xa3: {  	[sflag:s23] =	ssyncset.done $0x0  }
0xa4: {  	s25 =	simm.s32 $0x1B8E;
	s24 =	sld [smem:$0x3FFE];
	[sflag:s23] =	ssyncadd.s32 $0xFFFFFFFF  }
0xa5: {  	s26 =	simm.s32 $execute0_lowered;
	[smem:$0x3FD2] =	sst s25  }
0xa6: {  	s5 =	sshll.u32 s26, $0x1;
	_ =	strace $0x80000046;
	[dreg:$0x1] =	wrdreg $0xFFFFFFFF  }
0xa7: {  	s28 =	simm.s32 $_size_execute0_lowered;
	s3 =	sadd.s32 s3, s5;
	[dreg:$0x0] =	wrdreg $0x0  }
0xa8: {  	s5 =	sshll.u32 s28, $0x1;
	[dreg:$0x2] =	wrdreg s3  }
0xa9: {  	[dreg:$0x3] =	wrdreg s5  }
0xaa: {  	[dreg:$0x4] =	wrdreg $0xC0  }
0xab: {  	_ =	task [dreg:s7], $0x5FFFF  }
0xac: {  	[dreg:$0x1] =	wrdreg $0xFFFFFFFF  }
0xad: {  	[dreg:$0x0] =	wrdreg $0x60  }
0xae: {  	[dreg:$0x2] =	wrdreg s2  }
0xaf: {  	[dreg:$0x3] =	wrdreg s24  }
0xb0: {  	[dreg:$0x4] =	wrdreg $0x9  }
0xb1: {  	_ =	task.clear_ibuf [dreg:s7], $0x5FFFF;
	_ =	strace $0x90000046  }
0xb2: {  	s29 =	simm.s32 $0x9;
	_ =	strace $0x80000048  }
0xb3: {  	_ =	swait.ge [sflag:s29], $0x1  }
0xb4: {  	[sflag:s29] =	ssyncadd.s32 $0xFFFFFFFF  }
0xb5: {  	_ =	strace $0x90000048  }
0xb6: {  	_ =	sfence  }
0xb7: {  	s30 =	sld [smem:$0x0];
	_ =	sdelay $0x2  }
0xb8: {  	s31 =	sshll.u32 s1, $0xD;
	s1 =	sshrl.u32 s1, $0x2  }
0xb9: {  	s3 =	sand.u32 $0x4000, s31;
	s1 =	sadd.s32 s1, s30  }
0xba: {  	s0 =	sor.u32 s3, s0;
	s1 =	sshll.u32 s1, $0x11  }
0xbb: {  	s0 =	sor.u32 s1, s0  }
0xbc: {  	s0 =	sadd.s32 $0x8F2B, s0  }
0xbd: {  	[sflag:s0] =	ssyncadd.remote.s32 $0x1  }
0xbe: {  	_ =	sfence.sel $0xFFFF  }
0xbf: {  	[dreg:$0x0] =	wrdreg $0xFFFFFFFF;
	(pc) =	sbr.abs _section_cstart, $3  }
0xc0: {  	[dreg:$0x1] =	wrdreg $0xFFFFFFFF  }
0xc1: {  	_ =	task.clear_ibuf [dreg:s7], $0x2FFFF;
	_ =	strace $0x9FFFFFFF  }
0xc2: {  	(tm) =	ssettm $0x7FFFFFFF  }
0xc3: {  	_ =	shalt  }
tec
execute0_lowered:
.L_overlay_start_1:
0x0: {  	(tag) =	ssettag $0x1  }
0x1: {  	s0 =	srdreg.scid;
	s1 =	stileid.u32  }
0x2: {  	s5 =	rddreg [dreg:$0x1];
	s3 =	sand.u32 $0x1, s0;
	s12 =	sshll.u32 s1, $0x1  }
0x3: {  	s2 =	simm.s32 $0x0;
	s1 =	rddreg [dreg:$0x0];
	s0 =	sor.u32 s3, s12  }
0x4: {  	p0 =	por $0x0, $0x0;
	[smem:$0x7FF] =	sst s2;
	s4 =	smul.u32 $0x98968, s0  }
0x5: {  	s5 =	sadd.s32 $0x800, s5;
	_ =	strace $0x80000047;
	s3 =	ssub.s32 $0x2, s3  }
0x6: {  	s0 =	sadd.s32 $0x28, s4;
	s7 =	sshrl.u32 s4, $0x3;
	s13 =	sadd.s32 $0xC378, s4  }
0x7: {  	s9 =	sadd.s32 $0x61A8, s4;
	s17 =	sadd.s32 $0x186C8, s4;
	s18 =	sadd.s32 $0x124F8, s4  }
0x8: {  	s22 =	sadd.s32 $0x24A18, s4;
	s24 =	sadd.s32 $0x1E848, s4;
	s0 =	sshrl.u32 s0, $0x3  }
0x9: {  	s10 =	sadd.s32 $0x2AB98, s4;
	s6 =	sadd.s32 s1, s7;
	s0 =	sadd.s32 s1, s0  }
0xa: {  	s14 =	sshrl.u32 s9, $0x3;
	s8 =	sadd.s32 $0xC3A, s6;
	[dreg:$0x3] =	wrdreg s0  }
0xb: {  	s31 =	sadd.s32 s5, s7;
	s15 =	sadd.s32 s5, s14;
	[dreg:$0x4] =	wrdreg s8  }
0xc: {  	s19 =	sshrl.u32 s18, $0x3;
	s16 =	sadd.s32 $0x24A4, s6;
	[dreg:$0x6] =	wrdreg s15  }
0xd: {  	s25 =	sshrl.u32 s24, $0x3;
	s7 =	sadd.s32 $0x186A, s31;
	[dreg:$0x7] =	wrdreg s16  }
0xe: {  	s11 =	sshrl.u32 s10, $0x3;
	s20 =	sadd.s32 s5, s19;
	[dreg:$0x8] =	wrdreg s7  }
0xf: {  	s21 =	sadd.s32 $0x3D0E, s6;
	s23 =	sadd.s32 $0x30D4, s31;
	[dreg:$0xa] =	wrdreg s20  }
0x10: {  	s26 =	sadd.s32 s5, s25;
	s9 =	sadd.s32 $0x493E, s31;
	[dreg:$0xb] =	wrdreg s21  }
0x11: {  	s12 =	sadd.s32 s5, s11;
	s14 =	sadd.s32 $0x3D0B8, s4;
	[dreg:$0xc] =	wrdreg s23  }
0x12: {  	s19 =	sadd.s32 $0x864C, s6;
	s25 =	sadd.s32 $0x9EB6, s6;
	[dreg:$0xe] =	wrdreg s26  }
0x13: {  	s10 =	sadd.s32 $0x927C, s31;
	s11 =	sadd.s32 $0x4F588, s4;
	[dreg:$0x10] =	wrdreg s9  }
0x14: {  	s29 =	sadd.s32 $0xB720, s6;
	s28 =	sadd.s32 $0xAAE6, s31;
	[dreg:$0x12] =	wrdreg s12  }
0x15: {  	s0 =	sshrl.u32 s13, $0x3;
	s7 =	sadd.s32 $0x5578, s6;
	[dreg:$0x17] =	wrdreg s19  }
0x16: {  	s8 =	sadd.s32 $0x30D68, s4;
	s13 =	sadd.s32 $0x6DE2, s6;
	[dreg:$0x1b] =	wrdreg s25  }
0x17: {  	s15 =	sadd.s32 $0x61A8, s31;
	s16 =	sadd.s32 $0x36EE8, s4;
	[dreg:$0x1c] =	wrdreg s10  }
0x18: {  	s20 =	sadd.s32 $0x49408, s4;
	s21 =	sadd.s32 $0x7A12, s31;
	[dreg:$0xf] =	wrdreg s7  }
0x19: {  	s26 =	sshrl.u32 s3, $0x1;
	s9 =	sadd.s32 $0x55758, s4;
	[dreg:$0x13] =	wrdreg s13  }
0x1a: {  	s12 =	sshrl.u32 s11, $0x3;
	s19 =	sadd.s32 $0x73F78, s4;
	[dreg:$0x14] =	wrdreg s15  }
0x1b: {  	s11 =	sadd.s32 $0x8C618, s4;
	s0 =	sadd.s32 s1, s0;
	[dreg:$0x18] =	wrdreg s21  }
0x1c: {  	s7 =	ssub.s32 s3, s26;
	s30 =	sadd.s32 s5, s12;
	s13 =	sadd.s32 $0x61AA8, s4  }
0x1d: {  	s15 =	sadd.s32 $0x6DDF8, s4;
	[dreg:$0x5] =	wrdreg s0;
	s0 =	sshrl.u32 s17, $0x3  }
0x1e: {  	s17 =	sshrl.u32 s16, $0x3;
	s16 =	sadd.s32 $0x67C28, s4;
	s12 =	smax.u32 s7, $0x1  }
0x1f: {  	s7 =	simm.s32 $0x3;
	s0 =	sadd.s32 s1, s0;
	s18 =	sadd.s32 s5, s17  }
0x20: {  	s17 =	sshrl.u32 s16, $0x3;
	p1 =	sne.s32 s12, $0x1;
	[dreg:$0x9] =	wrdreg s0  }
0x21: {  	s0 =	sshrl.u32 s22, $0x3;
	[dreg:$0x16] =	wrdreg s18;
	s22 =	sadd.s32 $0x43238, s4  }
0x22: {  	s21 =	sadd.s32 s5, s17;
	s18 =	sadd.s32 $0x7A148, s4;
	s0 =	sadd.s32 s1, s0  }
0x23: {  	s17 =	sadd.s32 $0xF424, s31;
	s23 =	sshrl.u32 s22, $0x3;
	[dreg:$0xd] =	wrdreg s0  }
0x24: {  	s0 =	sshrl.u32 s8, $0x3;
	s24 =	sadd.s32 s5, s23;
	s23 =	sadd.s32 $0xC350, s31  }
0x25: {  	s8 =	sadd.s32 $0x927E8, s4;
	s0 =	sadd.s32 s1, s0;
	[dreg:$0x1a] =	wrdreg s24  }
0x26: {  	[dreg:$0x11] =	wrdreg s0;
	s0 =	sshrl.u32 s14, $0x3;
	s14 =	sadd.s32 $0x5B8D8, s4  }
0x27: {  	s24 =	sadd.s32 $0xCF8A, s6;
	s0 =	sadd.s32 s1, s0;
	s3 =	sshrl.u32 s14, $0x3  }
0x28: {  	[dreg:$0x15] =	wrdreg s0;
	s0 =	sshrl.u32 s20, $0x3;
	s25 =	sadd.s32 s5, s3  }
0x29: {  	s20 =	sadd.s32 $0xE7F4, s6;
	s3 =	sshrl.u32 s19, $0x3;
	s19 =	sadd.s32 $0xDBBA, s31  }
0x2a: {  	s0 =	sadd.s32 s1, s0;
	s16 =	sadd.s32 s5, s3;
	s3 =	sadd.s32 $0x86498, s4  }
0x2b: {  	[dreg:$0x19] =	wrdreg s0;
	s0 =	sshrl.u32 s9, $0x3;
	s9 =	sadd.s32 $0x802C8, s4  }
0x2c: {  	s0 =	sadd.s32 s1, s0;
	s10 =	sshrl.u32 s9, $0x3;
	s9 =	simm.s32 $0x6200  }
0x2d: {  	[dreg:$0x1d] =	wrdreg s0;
	s0 =	sshrl.u32 s13, $0x3;
	s14 =	sadd.s32 s5, s10  }
0x2e: {  	s10 =	sadd.s32 $0x118C8, s6;
	s26 =	sadd.s32 s1, s0;
	s0 =	sshrl.u32 s15, $0x3  }
0x2f: {  	s15 =	sadd.s32 $0x1005E, s6;
	s22 =	sadd.s32 s1, s0;
	s0 =	sshrl.u32 s18, $0x3  }
.Ltmp0:
0x30: {  	s6 =	sadd.s32 $0x124F8, s31;
	s18 =	sadd.s32 s1, s0;
	(pc) =	sbr.rel @!p1 .LBB2_3-.Ltmp0, $4  }
0x31: {  	s0 =	sshrl.u32 s3, $0x3;
	s3 =	sshrl.u32 s8, $0x3;
	s8 =	simm.s32 $0x1  }
0x32: {  	s13 =	sadd.s32 s1, s0;
	s3 =	sadd.s32 s1, s3;
	s0 =	sshrl.u32 s11, $0x3  }
0x33: {  	s11 =	sadd.s32 $0x10C8E, s31;
	s1 =	sadd.s32 $0xFFFFFFFF, s12;
	s12 =	simm.s32 $0x2  }
0x34: {  	s4 =	sadd.s32 s5, s0;
	s5 =	simm.s32 $0x4;
	s0 =	rddreg [dreg:$0x3]  }
0x35: {  	[dreg:$0x1e] =	wrdreg s1  }
0x36: {  	[tilespmem:s2], [sflag:$0x1] =	stream.linear.gather [hbm4b:s0+s2], $0x61A8, $0x38;
	[tilespmem:$0xC400] =	vst v63  }
0x37: {  	s1 =	rddreg [dreg:$0x4]  }
0x38: {  	[tilespmem:s9], [sflag:$0x2] =	stream.linear.gather [hbm4b:s1+s2], $0x61A8, $0x38;
	[tilespmem:$0xC400] =	vst v63  }
0x39: {  	_ =	swait.ge [sflag:s8], $0x61A8  }
0x3a: {  	[sflag:s8] =	ssyncset.done $0x0  }
0x3b: {  	[sflag:s8] =	ssyncadd.s32 $0xFFFF9E58  }
0x3c: {  	[hbm4b:s31+s2] =	stream.linear.scatter [tilespmem:s2], [sflag:$0x3], $0x61A8, $0x38;
	[tilespmem:$0xC400] =	vst v63  }
0x3d: {  	_ =	swait.ge [sflag:s7], $0x61A8  }
0x3e: {  	[sflag:s7] =	ssyncset.done $0x0  }
0x3f: {  	s1 =	rddreg [dreg:$0x5];
	[sflag:s7] =	ssyncadd.s32 $0xFFFF9E58  }
0x40: {  	[tilespmem:s2], [sflag:$0x1] =	stream.linear.gather [hbm4b:s1+s2], $0x61A8, $0x38;
	[tilespmem:$0xC400] =	vst v63  }
0x41: {  	_ =	swait.ge [sflag:s12], $0x61A8  }
0x42: {  	[sflag:s12] =	ssyncset.done $0x0  }
0x43: {  	s1 =	rddreg [dreg:$0x6];
	[sflag:s12] =	ssyncadd.s32 $0xFFFF9E58  }
0x44: {  	[hbm4b:s1+s2] =	stream.linear.scatter [tilespmem:s9], [sflag:$0x4], $0x61A8, $0x38;
	[tilespmem:$0xC400] =	vst v63  }
0x45: {  	_ =	swait.ge [sflag:s5], $0x61A8  }
0x46: {  	[sflag:s5] =	ssyncset.done $0x0  }
0x47: {  	s1 =	rddreg [dreg:$0x7];
	[sflag:s5] =	ssyncadd.s32 $0xFFFF9E58  }
0x48: {  	[tilespmem:s9], [sflag:$0x2] =	stream.linear.gather [hbm4b:s1+s2], $0x61A8, $0x38;
	[tilespmem:$0xC400] =	vst v63  }
0x49: {  	_ =	swait.ge [sflag:s8], $0x61A8  }
0x4a: {  	[sflag:s8] =	ssyncset.done $0x0  }
0x4b: {  	s1 =	rddreg [dreg:$0x8];
	[sflag:s8] =	ssyncadd.s32 $0xFFFF9E58  }
0x4c: {  	[hbm4b:s1+s2] =	stream.linear.scatter [tilespmem:s2], [sflag:$0x3], $0x61A8, $0x38;
	[tilespmem:$0xC400] =	vst v63  }
0x4d: {  	_ =	swait.ge [sflag:s7], $0x61A8  }
0x4e: {  	[sflag:s7] =	ssyncset.done $0x0  }
0x4f: {  	s1 =	rddreg [dreg:$0x9];
	[sflag:s7] =	ssyncadd.s32 $0xFFFF9E58  }
0x50: {  	[tilespmem:s2], [sflag:$0x1] =	stream.linear.gather [hbm4b:s1+s2], $0x61A8, $0x38;
	[tilespmem:$0xC400] =	vst v63  }
0x51: {  	_ =	swait.ge [sflag:s12], $0x61A8  }
0x52: {  	[sflag:s12] =	ssyncset.done $0x0  }
0x53: {  	s1 =	rddreg [dreg:$0xa];
	[sflag:s12] =	ssyncadd.s32 $0xFFFF9E58  }
0x54: {  	[hbm4b:s1+s2] =	stream.linear.scatter [tilespmem:s9], [sflag:$0x4], $0x61A8, $0x38;
	[tilespmem:$0xC400] =	vst v63  }
0x55: {  	_ =	swait.ge [sflag:s5], $0x61A8  }
0x56: {  	[sflag:s5] =	ssyncset.done $0x0  }
0x57: {  	s1 =	rddreg [dreg:$0xb];
	[sflag:s5] =	ssyncadd.s32 $0xFFFF9E58  }
0x58: {  	[tilespmem:s9], [sflag:$0x2] =	stream.linear.gather [hbm4b:s1+s2], $0x61A8, $0x38;
	[tilespmem:$0xC400] =	vst v63  }
0x59: {  	_ =	swait.ge [sflag:s8], $0x61A8  }
0x5a: {  	[sflag:s8] =	ssyncset.done $0x0  }
0x5b: {  	s1 =	rddreg [dreg:$0xc];
	[sflag:s8] =	ssyncadd.s32 $0xFFFF9E58  }
0x5c: {  	[hbm4b:s1+s2] =	stream.linear.scatter [tilespmem:s2], [sflag:$0x3], $0x61A8, $0x38;
	[tilespmem:$0xC400] =	vst v63  }
0x5d: {  	_ =	swait.ge [sflag:s7], $0x61A8  }
0x5e: {  	[sflag:s7] =	ssyncset.done $0x0  }
0x5f: {  	s1 =	rddreg [dreg:$0xd];
	[sflag:s7] =	ssyncadd.s32 $0xFFFF9E58  }
0x60: {  	[tilespmem:s2], [sflag:$0x1] =	stream.linear.gather [hbm4b:s1+s2], $0x61A8, $0x38;
	[tilespmem:$0xC400] =	vst v63  }
0x61: {  	_ =	swait.ge [sflag:s12], $0x61A8  }
0x62: {  	[sflag:s12] =	ssyncset.done $0x0  }
0x63: {  	s1 =	rddreg [dreg:$0xe];
	[sflag:s12] =	ssyncadd.s32 $0xFFFF9E58  }
0x64: {  	[hbm4b:s1+s2] =	stream.linear.scatter [tilespmem:s9], [sflag:$0x4], $0x61A8, $0x38;
	[tilespmem:$0xC400] =	vst v63  }
0x65: {  	_ =	swait.ge [sflag:s5], $0x61A8  }
0x66: {  	[sflag:s5] =	ssyncset.done $0x0  }
0x67: {  	s1 =	rddreg [dreg:$0xf];
	[sflag:s5] =	ssyncadd.s32 $0xFFFF9E58  }
0x68: {  	[tilespmem:s9], [sflag:$0x2] =	stream.linear.gather [hbm4b:s1+s2], $0x61A8, $0x38;
	[tilespmem:$0xC400] =	vst v63  }
0x69: {  	_ =	swait.ge [sflag:s8], $0x61A8  }
0x6a: {  	[sflag:s8] =	ssyncset.done $0x0  }
0x6b: {  	s1 =	rddreg [dreg:$0x10];
	[sflag:s8] =	ssyncadd.s32 $0xFFFF9E58  }
0x6c: {  	[hbm4b:s1+s2] =	stream.linear.scatter [tilespmem:s2], [sflag:$0x3], $0x61A8, $0x38;
	[tilespmem:$0xC400] =	vst v63  }
0x6d: {  	_ =	swait.ge [sflag:s7], $0x61A8  }
0x6e: {  	[sflag:s7] =	ssyncset.done $0x0  }
0x6f: {  	s1 =	rddreg [dreg:$0x11];
	[sflag:s7] =	ssyncadd.s32 $0xFFFF9E58  }
0x70: {  	[tilespmem:s2], [sflag:$0x1] =	stream.linear.gather [hbm4b:s1+s2], $0x61A8, $0x38;
	[tilespmem:$0xC400] =	vst v63  }
0x71: {  	_ =	swait.ge [sflag:s12], $0x61A8  }
0x72: {  	[sflag:s12] =	ssyncset.done $0x0  }
0x73: {  	s1 =	rddreg [dreg:$0x12];
	[sflag:s12] =	ssyncadd.s32 $0xFFFF9E58  }
0x74: {  	[hbm4b:s1+s2] =	stream.linear.scatter [tilespmem:s9], [sflag:$0x4], $0x61A8, $0x38;
	[tilespmem:$0xC400] =	vst v63  }
0x75: {  	_ =	swait.ge [sflag:s5], $0x61A8  }
0x76: {  	[sflag:s5] =	ssyncset.done $0x0  }
0x77: {  	s1 =	rddreg [dreg:$0x13];
	[sflag:s5] =	ssyncadd.s32 $0xFFFF9E58  }
0x78: {  	[tilespmem:s9], [sflag:$0x2] =	stream.linear.gather [hbm4b:s1+s2], $0x61A8, $0x38;
	[tilespmem:$0xC400] =	vst v63  }
0x79: {  	_ =	swait.ge [sflag:s8], $0x61A8  }
0x7a: {  	[sflag:s8] =	ssyncset.done $0x0  }
0x7b: {  	s1 =	rddreg [dreg:$0x14];
	[sflag:s8] =	ssyncadd.s32 $0xFFFF9E58  }
0x7c: {  	[hbm4b:s1+s2] =	stream.linear.scatter [tilespmem:s2], [sflag:$0x3], $0x61A8, $0x38;
	[tilespmem:$0xC400] =	vst v63  }
0x7d: {  	_ =	swait.ge [sflag:s7], $0x61A8  }
0x7e: {  	[sflag:s7] =	ssyncset.done $0x0  }
0x7f: {  	s1 =	rddreg [dreg:$0x15];
	[sflag:s7] =	ssyncadd.s32 $0xFFFF9E58  }
0x80: {  	[tilespmem:s2], [sflag:$0x1] =	stream.linear.gather [hbm4b:s1+s2], $0x61A8, $0x38;
	[tilespmem:$0xC400] =	vst v63  }
0x81: {  	_ =	swait.ge [sflag:s12], $0x61A8  }
0x82: {  	[sflag:s12] =	ssyncset.done $0x0  }
0x83: {  	s1 =	rddreg [dreg:$0x16];
	[sflag:s12] =	ssyncadd.s32 $0xFFFF9E58  }
0x84: {  	[hbm4b:s1+s2] =	stream.linear.scatter [tilespmem:s9], [sflag:$0x4], $0x61A8, $0x38;
	[tilespmem:$0xC400] =	vst v63  }
0x85: {  	_ =	swait.ge [sflag:s5], $0x61A8  }
0x86: {  	[sflag:s5] =	ssyncset.done $0x0  }
0x87: {  	s1 =	rddreg [dreg:$0x17];
	[sflag:s5] =	ssyncadd.s32 $0xFFFF9E58  }
0x88: {  	[tilespmem:s9], [sflag:$0x2] =	stream.linear.gather [hbm4b:s1+s2], $0x61A8, $0x38;
	[tilespmem:$0xC400] =	vst v63  }
0x89: {  	_ =	swait.ge [sflag:s8], $0x61A8  }
0x8a: {  	[sflag:s8] =	ssyncset.done $0x0  }
0x8b: {  	s1 =	rddreg [dreg:$0x18];
	[sflag:s8] =	ssyncadd.s32 $0xFFFF9E58  }
0x8c: {  	[hbm4b:s1+s2] =	stream.linear.scatter [tilespmem:s2], [sflag:$0x3], $0x61A8, $0x38;
	[tilespmem:$0xC400] =	vst v63  }
0x8d: {  	_ =	swait.ge [sflag:s7], $0x61A8  }
0x8e: {  	[sflag:s7] =	ssyncset.done $0x0  }
0x8f: {  	s1 =	rddreg [dreg:$0x19];
	[sflag:s7] =	ssyncadd.s32 $0xFFFF9E58  }
0x90: {  	[tilespmem:s2], [sflag:$0x1] =	stream.linear.gather [hbm4b:s1+s2], $0x61A8, $0x38;
	[tilespmem:$0xC400] =	vst v63  }
0x91: {  	_ =	swait.ge [sflag:s12], $0x61A8  }
0x92: {  	[sflag:s12] =	ssyncset.done $0x0  }
0x93: {  	s1 =	rddreg [dreg:$0x1a];
	[sflag:s12] =	ssyncadd.s32 $0xFFFF9E58  }
0x94: {  	[hbm4b:s1+s2] =	stream.linear.scatter [tilespmem:s9], [sflag:$0x4], $0x61A8, $0x38;
	[tilespmem:$0xC400] =	vst v63  }
0x95: {  	_ =	swait.ge [sflag:s5], $0x61A8  }
0x96: {  	[sflag:s5] =	ssyncset.done $0x0  }
0x97: {  	s1 =	rddreg [dreg:$0x1b];
	[sflag:s5] =	ssyncadd.s32 $0xFFFF9E58  }
0x98: {  	[tilespmem:s9], [sflag:$0x2] =	stream.linear.gather [hbm4b:s1+s2], $0x61A8, $0x38;
	[tilespmem:$0xC400] =	vst v63  }
0x99: {  	_ =	swait.ge [sflag:s8], $0x61A8  }
0x9a: {  	[sflag:s8] =	ssyncset.done $0x0  }
0x9b: {  	s1 =	rddreg [dreg:$0x1c];
	[sflag:s8] =	ssyncadd.s32 $0xFFFF9E58  }
0x9c: {  	[hbm4b:s1+s2] =	stream.linear.scatter [tilespmem:s2], [sflag:$0x3], $0x61A8, $0x38;
	[tilespmem:$0xC400] =	vst v63  }
0x9d: {  	_ =	swait.ge [sflag:s7], $0x61A8  }
0x9e: {  	[sflag:s7] =	ssyncset.done $0x0  }
0x9f: {  	s1 =	rddreg [dreg:$0x1d];
	[sflag:s7] =	ssyncadd.s32 $0xFFFF9E58  }
0xa0: {  	[tilespmem:s2], [sflag:$0x1] =	stream.linear.gather [hbm4b:s1+s2], $0x61A8, $0x38;
	[tilespmem:$0xC400] =	vst v63  }
0xa1: {  	_ =	swait.ge [sflag:s12], $0x61A8  }
0xa2: {  	[sflag:s12] =	ssyncset.done $0x0  }
0xa3: {  	[sflag:s12] =	ssyncadd.s32 $0xFFFF9E58  }
0xa4: {  	[hbm4b:s30+s2] =	stream.linear.scatter [tilespmem:s9], [sflag:$0x4], $0x61A8, $0x38;
	[tilespmem:$0xC400] =	vst v63  }
0xa5: {  	_ =	swait.ge [sflag:s5], $0x61A8  }
0xa6: {  	[sflag:s5] =	ssyncset.done $0x0  }
0xa7: {  	[sflag:s5] =	ssyncadd.s32 $0xFFFF9E58  }
0xa8: {  	[tilespmem:s9], [sflag:$0x2] =	stream.linear.gather [hbm4b:s29+s2], $0x61A8, $0x38;
	[tilespmem:$0xC400] =	vst v63  }
0xa9: {  	_ =	swait.ge [sflag:s8], $0x61A8  }
0xaa: {  	[sflag:s8] =	ssyncset.done $0x0  }
0xab: {  	[sflag:s8] =	ssyncadd.s32 $0xFFFF9E58  }
0xac: {  	[hbm4b:s28+s2] =	stream.linear.scatter [tilespmem:s2], [sflag:$0x3], $0x61A8, $0x38;
	[tilespmem:$0xC400] =	vst v63  }
0xad: {  	_ =	swait.ge [sflag:s7], $0x61A8  }
0xae: {  	[sflag:s7] =	ssyncset.done $0x0  }
0xaf: {  	[sflag:s7] =	ssyncadd.s32 $0xFFFF9E58  }
0xb0: {  	[tilespmem:s2], [sflag:$0x1] =	stream.linear.gather [hbm4b:s26+s2], $0x61A8, $0x38;
	[tilespmem:$0xC400] =	vst v63  }
0xb1: {  	_ =	swait.ge [sflag:s12], $0x61A8  }
0xb2: {  	[sflag:s12] =	ssyncset.done $0x0  }
0xb3: {  	[sflag:s12] =	ssyncadd.s32 $0xFFFF9E58  }
0xb4: {  	[hbm4b:s25+s2] =	stream.linear.scatter [tilespmem:s9], [sflag:$0x4], $0x61A8, $0x38;
	[tilespmem:$0xC400] =	vst v63  }
0xb5: {  	_ =	swait.ge [sflag:s5], $0x61A8  }
0xb6: {  	[sflag:s5] =	ssyncset.done $0x0  }
0xb7: {  	[sflag:s5] =	ssyncadd.s32 $0xFFFF9E58  }
0xb8: {  	[tilespmem:s9], [sflag:$0x2] =	stream.linear.gather [hbm4b:s24+s2], $0x61A8, $0x38;
	[tilespmem:$0xC400] =	vst v63  }
0xb9: {  	_ =	swait.ge [sflag:s8], $0x61A8  }
0xba: {  	[sflag:s8] =	ssyncset.done $0x0  }
0xbb: {  	[sflag:s8] =	ssyncadd.s32 $0xFFFF9E58  }
0xbc: {  	[hbm4b:s23+s2] =	stream.linear.scatter [tilespmem:s2], [sflag:$0x3], $0x61A8, $0x38;
	[tilespmem:$0xC400] =	vst v63  }
0xbd: {  	_ =	swait.ge [sflag:s7], $0x61A8  }
0xbe: {  	[sflag:s7] =	ssyncset.done $0x0  }
0xbf: {  	[sflag:s7] =	ssyncadd.s32 $0xFFFF9E58  }
0xc0: {  	[tilespmem:s2], [sflag:$0x1] =	stream.linear.gather [hbm4b:s22+s2], $0x61A8, $0x38;
	[tilespmem:$0xC400] =	vst v63  }
0xc1: {  	_ =	swait.ge [sflag:s12], $0x61A8  }
0xc2: {  	[sflag:s12] =	ssyncset.done $0x0  }
0xc3: {  	[sflag:s12] =	ssyncadd.s32 $0xFFFF9E58  }
0xc4: {  	[hbm4b:s21+s2] =	stream.linear.scatter [tilespmem:s9], [sflag:$0x4], $0x61A8, $0x38;
	[tilespmem:$0xC400] =	vst v63  }
0xc5: {  	_ =	swait.ge [sflag:s5], $0x61A8  }
0xc6: {  	[sflag:s5] =	ssyncset.done $0x0  }
0xc7: {  	[sflag:s5] =	ssyncadd.s32 $0xFFFF9E58  }
0xc8: {  	[tilespmem:s9], [sflag:$0x2] =	stream.linear.gather [hbm4b:s20+s2], $0x61A8, $0x38;
	[tilespmem:$0xC400] =	vst v63  }
0xc9: {  	_ =	swait.ge [sflag:s8], $0x61A8  }
0xca: {  	[sflag:s8] =	ssyncset.done $0x0  }
0xcb: {  	[sflag:s8] =	ssyncadd.s32 $0xFFFF9E58  }
0xcc: {  	[hbm4b:s19+s2] =	stream.linear.scatter [tilespmem:s2], [sflag:$0x3], $0x61A8, $0x38;
	[tilespmem:$0xC400] =	vst v63  }
0xcd: {  	_ =	swait.ge [sflag:s7], $0x61A8  }
0xce: {  	[sflag:s7] =	ssyncset.done $0x0  }
0xcf: {  	[sflag:s7] =	ssyncadd.s32 $0xFFFF9E58  }
0xd0: {  	[tilespmem:s2], [sflag:$0x1] =	stream.linear.gather [hbm4b:s18+s2], $0x61A8, $0x38;
	[tilespmem:$0xC400] =	vst v63  }
0xd1: {  	_ =	swait.ge [sflag:s12], $0x61A8  }
0xd2: {  	[sflag:s12] =	ssyncset.done $0x0  }
0xd3: {  	[sflag:s12] =	ssyncadd.s32 $0xFFFF9E58  }
0xd4: {  	[hbm4b:s16+s2] =	stream.linear.scatter [tilespmem:s9], [sflag:$0x4], $0x61A8, $0x38;
	[tilespmem:$0xC400] =	vst v63  }
0xd5: {  	_ =	swait.ge [sflag:s5], $0x61A8  }
0xd6: {  	[sflag:s5] =	ssyncset.done $0x0  }
0xd7: {  	[sflag:s5] =	ssyncadd.s32 $0xFFFF9E58  }
0xd8: {  	[tilespmem:s9], [sflag:$0x2] =	stream.linear.gather [hbm4b:s15+s2], $0x61A8, $0x38;
	[tilespmem:$0xC400] =	vst v63  }
0xd9: {  	_ =	swait.ge [sflag:s8], $0x61A8  }
0xda: {  	[sflag:s8] =	ssyncset.done $0x0  }
0xdb: {  	[sflag:s8] =	ssyncadd.s32 $0xFFFF9E58  }
0xdc: {  	[hbm4b:s17+s2] =	stream.linear.scatter [tilespmem:s2], [sflag:$0x3], $0x61A8, $0x38;
	[tilespmem:$0xC400] =	vst v63  }
0xdd: {  	_ =	swait.ge [sflag:s7], $0x61A8  }
0xde: {  	[sflag:s7] =	ssyncset.done $0x0  }
0xdf: {  	[sflag:s7] =	ssyncadd.s32 $0xFFFF9E58  }
0xe0: {  	[tilespmem:s2], [sflag:$0x1] =	stream.linear.gather [hbm4b:s13+s2], $0x61A8, $0x38;
	[tilespmem:$0xC400] =	vst v63  }
0xe1: {  	_ =	swait.ge [sflag:s12], $0x61A8  }
0xe2: {  	[sflag:s12] =	ssyncset.done $0x0  }
0xe3: {  	[sflag:s12] =	ssyncadd.s32 $0xFFFF9E58  }
0xe4: {  	[hbm4b:s14+s2] =	stream.linear.scatter [tilespmem:s9], [sflag:$0x4], $0x61A8, $0x38;
	[tilespmem:$0xC400] =	vst v63  }
0xe5: {  	_ =	swait.ge [sflag:s5], $0x61A8  }
0xe6: {  	[sflag:s5] =	ssyncset.done $0x0  }
0xe7: {  	[sflag:s5] =	ssyncadd.s32 $0xFFFF9E58  }
0xe8: {  	[tilespmem:s9], [sflag:$0x2] =	stream.linear.gather [hbm4b:s10+s2], $0x61A8, $0x38;
	[tilespmem:$0xC400] =	vst v63  }
0xe9: {  	_ =	swait.ge [sflag:s8], $0x61A8  }
0xea: {  	[sflag:s8] =	ssyncset.done $0x0  }
0xeb: {  	[sflag:s8] =	ssyncadd.s32 $0xFFFF9E58  }
0xec: {  	[hbm4b:s11+s2] =	stream.linear.scatter [tilespmem:s2], [sflag:$0x3], $0x61A8, $0x38;
	[tilespmem:$0xC400] =	vst v63  }
0xed: {  	_ =	swait.ge [sflag:s7], $0x61A8  }
0xee: {  	[sflag:s7] =	ssyncset.done $0x0  }
0xef: {  	[sflag:s7] =	ssyncadd.s32 $0xFFFF9E58  }
0xf0: {  	[tilespmem:s2], [sflag:$0x1] =	stream.linear.gather [hbm4b:s3+s2], $0x61A8, $0x38;
	[tilespmem:$0xC400] =	vst v63  }
0xf1: {  	_ =	swait.ge [sflag:s12], $0x61A8  }
0xf2: {  	[sflag:s12] =	ssyncset.done $0x0  }
0xf3: {  	[sflag:s12] =	ssyncadd.s32 $0xFFFF9E58  }
0xf4: {  	[hbm4b:s4+s2] =	stream.linear.scatter [tilespmem:s9], [sflag:$0x4], $0x61A8, $0x38;
	[tilespmem:$0xC400] =	vst v63  }
0xf5: {  	_ =	swait.ge [sflag:s8], $0x61A8  }
0xf6: {  	[sflag:s8] =	ssyncset.done $0x0  }
0xf7: {  	[sflag:s8] =	ssyncadd.s32 $0xFFFF9E58  }
0xf8: {  	[hbm4b:s6+s2] =	stream.linear.scatter [tilespmem:s2], [sflag:$0x3], $0x61A8, $0x38;
	[tilespmem:$0xC400] =	vst v63  }
0xf9: {  	_ =	swait.ge [sflag:s7], $0x61A8  }
0xfa: {  	s1 =	rddreg [dreg:$0x1e]  }
0xfb: {  	p1 =	sne.s32 s1, $0x1  }
.Ltmp1:
0xfc: {  	_ = 	snop;
	(pc) =	sbr.rel @!p1 .LBB2_3-.Ltmp1, $4  }
0xfd: {  	[sflag:s7] =	ssyncset.done $0x0  }
0xfe: {  	[sflag:s7] =	ssyncadd.s32 $0xFFFF9E58  }
0xff: {  	p0 =	por $0x1, $0x1;
	_ =	swait.ge [sflag:s5], $0x61A8  }
0x100: {  	s1 =	sadd.s32 $0xFFFFFFFF, s1;
	s0 =	rddreg [dreg:$0x3];
	[sflag:s5] =	ssyncset.done $0x0  }
.LBB2_2:
0x101: {  	[sflag:s5] =	ssyncadd.s32 $0xFFFF9E58;
	s5 =	simm.s32 $0x6200  }
0x102: {  	s9 =	smov.u32 s31;
	s31 =	smov.u32 s30;
	s30 =	smov.u32 s29  }
0x103: {  	s29 =	smov.u32 s28;
	s28 =	smov.u32 s26;
	s26 =	smov.u32 s25  }
0x104: {  	s25 =	smov.u32 s24;
	s24 =	smov.u32 s23;
	s23 =	smov.u32 s22  }
0x105: {  	s22 =	smov.u32 s21;
	s21 =	smov.u32 s20;
	s20 =	smov.u32 s19  }
0x106: {  	s19 =	smov.u32 s18;
	s18 =	smov.u32 s17;
	s17 =	smov.u32 s16  }
0x107: {  	s16 =	smov.u32 s15;
	s15 =	smov.u32 s14;
	s14 =	smov.u32 s13  }
0x108: {  	s13 =	smov.u32 s11;
	s11 =	smov.u32 s10;
	s10 =	smov.u32 s6  }
0x109: {  	[tilespmem:s2], [sflag:$0x1] =	stream.linear.gather [hbm4b:s0+s2], $0x61A8, $0x38;
	[tilespmem:$0xC400] =	vst v63  }
0x10a: {  	s6 =	smov.u32 s4;
	s4 =	smov.u32 s3;
	s3 =	rddreg [dreg:$0x4]  }
0x10b: {  	[tilespmem:s5], [sflag:$0x2] =	stream.linear.gather [hbm4b:s3+s2], $0x61A8, $0x38;
	[tilespmem:$0xC400] =	vst v63  }
0x10c: {  	s3 =	smov.u32 s4;
	s4 =	smov.u32 s6  }
0x10d: {  	s6 =	smov.u32 s10;
	s10 =	smov.u32 s11;
	s11 =	smov.u32 s13  }
0x10e: {  	s13 =	smov.u32 s14;
	s14 =	smov.u32 s15;
	s15 =	smov.u32 s16  }
0x10f: {  	s16 =	smov.u32 s17;
	s17 =	smov.u32 s18;
	s18 =	smov.u32 s19  }
0x110: {  	s19 =	smov.u32 s20;
	s20 =	smov.u32 s21;
	s21 =	smov.u32 s22  }
0x111: {  	s22 =	smov.u32 s23;
	s23 =	smov.u32 s24;
	s24 =	smov.u32 s25  }
0x112: {  	s25 =	smov.u32 s26;
	s26 =	smov.u32 s28;
	_ =	swait.ge [sflag:s8], $0x61A8  }
0x113: {  	s28 =	smov.u32 s29;
	s29 =	smov.u32 s30;
	[sflag:s8] =	ssyncset.done $0x0  }
0x114: {  	s30 =	smov.u32 s31;
	s31 =	smov.u32 s9;
	[sflag:s8] =	ssyncadd.s32 $0xFFFF9E58  }
0x115: {  	[hbm4b:s31+s2] =	stream.linear.scatter [tilespmem:s2], [sflag:$0x3], $0x61A8, $0x38;
	[tilespmem:$0xC400] =	vst v63  }
0x116: {  	_ =	swait.ge [sflag:s7], $0x61A8  }
0x117: {  	[sflag:s7] =	ssyncset.done $0x0  }
0x118: {  	s0 =	rddreg [dreg:$0x5];
	[sflag:s7] =	ssyncadd.s32 $0xFFFF9E58  }
0x119: {  	[tilespmem:s2], [sflag:$0x1] =	stream.linear.gather [hbm4b:s0+s2], $0x61A8, $0x38;
	[tilespmem:$0xC400] =	vst v63  }
0x11a: {  	_ =	swait.ge [sflag:s12], $0x61A8  }
0x11b: {  	s5 =	simm.s32 $0x4;
	[sflag:s12] =	ssyncset.done $0x0  }
0x11c: {  	s9 =	simm.s32 $0x6200;
	s0 =	rddreg [dreg:$0x6];
	[sflag:s12] =	ssyncadd.s32 $0xFFFF9E58  }
0x11d: {  	[hbm4b:s0+s2] =	stream.linear.scatter [tilespmem:s9], [sflag:$0x4], $0x61A8, $0x38;
	[tilespmem:$0xC400] =	vst v63  }
0x11e: {  	_ =	swait.ge [sflag:s5], $0x61A8  }
0x11f: {  	[sflag:s5] =	ssyncset.done $0x0  }
0x120: {  	s0 =	rddreg [dreg:$0x7];
	[sflag:s5] =	ssyncadd.s32 $0xFFFF9E58  }
0x121: {  	[tilespmem:s9], [sflag:$0x2] =	stream.linear.gather [hbm4b:s0+s2], $0x61A8, $0x38;
	[tilespmem:$0xC400] =	vst v63  }
0x122: {  	_ =	swait.ge [sflag:s8], $0x61A8  }
0x123: {  	[sflag:s8] =	ssyncset.done $0x0  }
0x124: {  	s0 =	rddreg [dreg:$0x8];
	[sflag:s8] =	ssyncadd.s32 $0xFFFF9E58  }
0x125: {  	[hbm4b:s0+s2] =	stream.linear.scatter [tilespmem:s2], [sflag:$0x3], $0x61A8, $0x38;
	[tilespmem:$0xC400] =	vst v63  }
0x126: {  	_ =	swait.ge [sflag:s7], $0x61A8  }
0x127: {  	[sflag:s7] =	ssyncset.done $0x0  }
0x128: {  	s0 =	rddreg [dreg:$0x9];
	[sflag:s7] =	ssyncadd.s32 $0xFFFF9E58  }
0x129: {  	[tilespmem:s2], [sflag:$0x1] =	stream.linear.gather [hbm4b:s0+s2], $0x61A8, $0x38;
	[tilespmem:$0xC400] =	vst v63  }
0x12a: {  	_ =	swait.ge [sflag:s12], $0x61A8  }
0x12b: {  	[sflag:s12] =	ssyncset.done $0x0  }
0x12c: {  	s0 =	rddreg [dreg:$0xa];
	[sflag:s12] =	ssyncadd.s32 $0xFFFF9E58  }
0x12d: {  	[hbm4b:s0+s2] =	stream.linear.scatter [tilespmem:s9], [sflag:$0x4], $0x61A8, $0x38;
	[tilespmem:$0xC400] =	vst v63  }
0x12e: {  	_ =	swait.ge [sflag:s5], $0x61A8  }
0x12f: {  	[sflag:s5] =	ssyncset.done $0x0  }
0x130: {  	s0 =	rddreg [dreg:$0xb];
	[sflag:s5] =	ssyncadd.s32 $0xFFFF9E58  }
0x131: {  	[tilespmem:s9], [sflag:$0x2] =	stream.linear.gather [hbm4b:s0+s2], $0x61A8, $0x38;
	[tilespmem:$0xC400] =	vst v63  }
0x132: {  	_ =	swait.ge [sflag:s8], $0x61A8  }
0x133: {  	[sflag:s8] =	ssyncset.done $0x0  }
0x134: {  	s0 =	rddreg [dreg:$0xc];
	[sflag:s8] =	ssyncadd.s32 $0xFFFF9E58  }
0x135: {  	[hbm4b:s0+s2] =	stream.linear.scatter [tilespmem:s2], [sflag:$0x3], $0x61A8, $0x38;
	[tilespmem:$0xC400] =	vst v63  }
0x136: {  	_ =	swait.ge [sflag:s7], $0x61A8  }
0x137: {  	[sflag:s7] =	ssyncset.done $0x0  }
0x138: {  	s0 =	rddreg [dreg:$0xd];
	[sflag:s7] =	ssyncadd.s32 $0xFFFF9E58  }
0x139: {  	[tilespmem:s2], [sflag:$0x1] =	stream.linear.gather [hbm4b:s0+s2], $0x61A8, $0x38;
	[tilespmem:$0xC400] =	vst v63  }
0x13a: {  	_ =	swait.ge [sflag:s12], $0x61A8  }
0x13b: {  	[sflag:s12] =	ssyncset.done $0x0  }
0x13c: {  	s0 =	rddreg [dreg:$0xe];
	[sflag:s12] =	ssyncadd.s32 $0xFFFF9E58  }
0x13d: {  	[hbm4b:s0+s2] =	stream.linear.scatter [tilespmem:s9], [sflag:$0x4], $0x61A8, $0x38;
	[tilespmem:$0xC400] =	vst v63  }
0x13e: {  	_ =	swait.ge [sflag:s5], $0x61A8  }
0x13f: {  	[sflag:s5] =	ssyncset.done $0x0  }
0x140: {  	s0 =	rddreg [dreg:$0xf];
	[sflag:s5] =	ssyncadd.s32 $0xFFFF9E58  }
0x141: {  	[tilespmem:s9], [sflag:$0x2] =	stream.linear.gather [hbm4b:s0+s2], $0x61A8, $0x38;
	[tilespmem:$0xC400] =	vst v63  }
0x142: {  	_ =	swait.ge [sflag:s8], $0x61A8  }
0x143: {  	[sflag:s8] =	ssyncset.done $0x0  }
0x144: {  	s0 =	rddreg [dreg:$0x10];
	[sflag:s8] =	ssyncadd.s32 $0xFFFF9E58  }
0x145: {  	[hbm4b:s0+s2] =	stream.linear.scatter [tilespmem:s2], [sflag:$0x3], $0x61A8, $0x38;
	[tilespmem:$0xC400] =	vst v63  }
0x146: {  	_ =	swait.ge [sflag:s7], $0x61A8  }
0x147: {  	[sflag:s7] =	ssyncset.done $0x0  }
0x148: {  	s0 =	rddreg [dreg:$0x11];
	[sflag:s7] =	ssyncadd.s32 $0xFFFF9E58  }
0x149: {  	[tilespmem:s2], [sflag:$0x1] =	stream.linear.gather [hbm4b:s0+s2], $0x61A8, $0x38;
	[tilespmem:$0xC400] =	vst v63  }
0x14a: {  	_ =	swait.ge [sflag:s12], $0x61A8  }
0x14b: {  	[sflag:s12] =	ssyncset.done $0x0  }
0x14c: {  	s0 =	rddreg [dreg:$0x12];
	[sflag:s12] =	ssyncadd.s32 $0xFFFF9E58  }
0x14d: {  	[hbm4b:s0+s2] =	stream.linear.scatter [tilespmem:s9], [sflag:$0x4], $0x61A8, $0x38;
	[tilespmem:$0xC400] =	vst v63  }
0x14e: {  	_ =	swait.ge [sflag:s5], $0x61A8  }
0x14f: {  	[sflag:s5] =	ssyncset.done $0x0  }
0x150: {  	s0 =	rddreg [dreg:$0x13];
	[sflag:s5] =	ssyncadd.s32 $0xFFFF9E58  }
0x151: {  	[tilespmem:s9], [sflag:$0x2] =	stream.linear.gather [hbm4b:s0+s2], $0x61A8, $0x38;
	[tilespmem:$0xC400] =	vst v63  }
0x152: {  	_ =	swait.ge [sflag:s8], $0x61A8  }
0x153: {  	[sflag:s8] =	ssyncset.done $0x0  }
0x154: {  	s0 =	rddreg [dreg:$0x14];
	[sflag:s8] =	ssyncadd.s32 $0xFFFF9E58  }
0x155: {  	[hbm4b:s0+s2] =	stream.linear.scatter [tilespmem:s2], [sflag:$0x3], $0x61A8, $0x38;
	[tilespmem:$0xC400] =	vst v63  }
0x156: {  	_ =	swait.ge [sflag:s7], $0x61A8  }
0x157: {  	[sflag:s7] =	ssyncset.done $0x0  }
0x158: {  	s0 =	rddreg [dreg:$0x15];
	[sflag:s7] =	ssyncadd.s32 $0xFFFF9E58  }
0x159: {  	[tilespmem:s2], [sflag:$0x1] =	stream.linear.gather [hbm4b:s0+s2], $0x61A8, $0x38;
	[tilespmem:$0xC400] =	vst v63  }
0x15a: {  	_ =	swait.ge [sflag:s12], $0x61A8  }
0x15b: {  	[sflag:s12] =	ssyncset.done $0x0  }
0x15c: {  	s0 =	rddreg [dreg:$0x16];
	[sflag:s12] =	ssyncadd.s32 $0xFFFF9E58  }
0x15d: {  	[hbm4b:s0+s2] =	stream.linear.scatter [tilespmem:s9], [sflag:$0x4], $0x61A8, $0x38;
	[tilespmem:$0xC400] =	vst v63  }
0x15e: {  	_ =	swait.ge [sflag:s5], $0x61A8  }
0x15f: {  	[sflag:s5] =	ssyncset.done $0x0  }
0x160: {  	s0 =	rddreg [dreg:$0x17];
	[sflag:s5] =	ssyncadd.s32 $0xFFFF9E58  }
0x161: {  	[tilespmem:s9], [sflag:$0x2] =	stream.linear.gather [hbm4b:s0+s2], $0x61A8, $0x38;
	[tilespmem:$0xC400] =	vst v63  }
0x162: {  	_ =	swait.ge [sflag:s8], $0x61A8  }
0x163: {  	[sflag:s8] =	ssyncset.done $0x0  }
0x164: {  	s0 =	rddreg [dreg:$0x18];
	[sflag:s8] =	ssyncadd.s32 $0xFFFF9E58  }
0x165: {  	[hbm4b:s0+s2] =	stream.linear.scatter [tilespmem:s2], [sflag:$0x3], $0x61A8, $0x38;
	[tilespmem:$0xC400] =	vst v63  }
0x166: {  	_ =	swait.ge [sflag:s7], $0x61A8  }
0x167: {  	[sflag:s7] =	ssyncset.done $0x0  }
0x168: {  	s0 =	rddreg [dreg:$0x19];
	[sflag:s7] =	ssyncadd.s32 $0xFFFF9E58  }
0x169: {  	[tilespmem:s2], [sflag:$0x1] =	stream.linear.gather [hbm4b:s0+s2], $0x61A8, $0x38;
	[tilespmem:$0xC400] =	vst v63  }
0x16a: {  	_ =	swait.ge [sflag:s12], $0x61A8  }
0x16b: {  	[sflag:s12] =	ssyncset.done $0x0  }
0x16c: {  	s0 =	rddreg [dreg:$0x1a];
	[sflag:s12] =	ssyncadd.s32 $0xFFFF9E58  }
0x16d: {  	[hbm4b:s0+s2] =	stream.linear.scatter [tilespmem:s9], [sflag:$0x4], $0x61A8, $0x38;
	[tilespmem:$0xC400] =	vst v63  }
0x16e: {  	_ =	swait.ge [sflag:s5], $0x61A8  }
0x16f: {  	[sflag:s5] =	ssyncset.done $0x0  }
0x170: {  	s0 =	rddreg [dreg:$0x1b];
	[sflag:s5] =	ssyncadd.s32 $0xFFFF9E58  }
0x171: {  	[tilespmem:s9], [sflag:$0x2] =	stream.linear.gather [hbm4b:s0+s2], $0x61A8, $0x38;
	[tilespmem:$0xC400] =	vst v63  }
0x172: {  	_ =	swait.ge [sflag:s8], $0x61A8  }
0x173: {  	[sflag:s8] =	ssyncset.done $0x0  }
0x174: {  	s0 =	rddreg [dreg:$0x1c];
	[sflag:s8] =	ssyncadd.s32 $0xFFFF9E58  }
0x175: {  	[hbm4b:s0+s2] =	stream.linear.scatter [tilespmem:s2], [sflag:$0x3], $0x61A8, $0x38;
	[tilespmem:$0xC400] =	vst v63  }
0x176: {  	_ =	swait.ge [sflag:s7], $0x61A8  }
0x177: {  	[sflag:s7] =	ssyncset.done $0x0  }
0x178: {  	s0 =	rddreg [dreg:$0x1d];
	[sflag:s7] =	ssyncadd.s32 $0xFFFF9E58  }
0x179: {  	[tilespmem:s2], [sflag:$0x1] =	stream.linear.gather [hbm4b:s0+s2], $0x61A8, $0x38;
	[tilespmem:$0xC400] =	vst v63  }
0x17a: {  	_ =	swait.ge [sflag:s12], $0x61A8  }
0x17b: {  	[sflag:s12] =	ssyncset.done $0x0  }
0x17c: {  	[sflag:s12] =	ssyncadd.s32 $0xFFFF9E58  }
0x17d: {  	[hbm4b:s30+s2] =	stream.linear.scatter [tilespmem:s9], [sflag:$0x4], $0x61A8, $0x38;
	[tilespmem:$0xC400] =	vst v63  }
0x17e: {  	_ =	swait.ge [sflag:s5], $0x61A8  }
0x17f: {  	[sflag:s5] =	ssyncset.done $0x0  }
0x180: {  	[sflag:s5] =	ssyncadd.s32 $0xFFFF9E58  }
0x181: {  	[tilespmem:s9], [sflag:$0x2] =	stream.linear.gather [hbm4b:s29+s2], $0x61A8, $0x38;
	[tilespmem:$0xC400] =	vst v63  }
0x182: {  	_ =	swait.ge [sflag:s8], $0x61A8  }
0x183: {  	[sflag:s8] =	ssyncset.done $0x0  }
0x184: {  	[sflag:s8] =	ssyncadd.s32 $0xFFFF9E58  }
0x185: {  	[hbm4b:s28+s2] =	stream.linear.scatter [tilespmem:s2], [sflag:$0x3], $0x61A8, $0x38;
	[tilespmem:$0xC400] =	vst v63  }
0x186: {  	_ =	swait.ge [sflag:s7], $0x61A8  }
0x187: {  	[sflag:s7] =	ssyncset.done $0x0  }
0x188: {  	[sflag:s7] =	ssyncadd.s32 $0xFFFF9E58  }
0x189: {  	[tilespmem:s2], [sflag:$0x1] =	stream.linear.gather [hbm4b:s26+s2], $0x61A8, $0x38;
	[tilespmem:$0xC400] =	vst v63  }
0x18a: {  	_ =	swait.ge [sflag:s12], $0x61A8  }
0x18b: {  	[sflag:s12] =	ssyncset.done $0x0  }
0x18c: {  	[sflag:s12] =	ssyncadd.s32 $0xFFFF9E58  }
0x18d: {  	[hbm4b:s25+s2] =	stream.linear.scatter [tilespmem:s9], [sflag:$0x4], $0x61A8, $0x38;
	[tilespmem:$0xC400] =	vst v63  }
0x18e: {  	_ =	swait.ge [sflag:s5], $0x61A8  }
0x18f: {  	[sflag:s5] =	ssyncset.done $0x0  }
0x190: {  	[sflag:s5] =	ssyncadd.s32 $0xFFFF9E58  }
0x191: {  	[tilespmem:s9], [sflag:$0x2] =	stream.linear.gather [hbm4b:s24+s2], $0x61A8, $0x38;
	[tilespmem:$0xC400] =	vst v63  }
0x192: {  	_ =	swait.ge [sflag:s8], $0x61A8  }
0x193: {  	[sflag:s8] =	ssyncset.done $0x0  }
0x194: {  	[sflag:s8] =	ssyncadd.s32 $0xFFFF9E58  }
0x195: {  	[hbm4b:s23+s2] =	stream.linear.scatter [tilespmem:s2], [sflag:$0x3], $0x61A8, $0x38;
	[tilespmem:$0xC400] =	vst v63  }
0x196: {  	_ =	swait.ge [sflag:s7], $0x61A8  }
0x197: {  	[sflag:s7] =	ssyncset.done $0x0  }
0x198: {  	[sflag:s7] =	ssyncadd.s32 $0xFFFF9E58  }
0x199: {  	[tilespmem:s2], [sflag:$0x1] =	stream.linear.gather [hbm4b:s22+s2], $0x61A8, $0x38;
	[tilespmem:$0xC400] =	vst v63  }
0x19a: {  	_ =	swait.ge [sflag:s12], $0x61A8  }
0x19b: {  	[sflag:s12] =	ssyncset.done $0x0  }
0x19c: {  	[sflag:s12] =	ssyncadd.s32 $0xFFFF9E58  }
0x19d: {  	[hbm4b:s21+s2] =	stream.linear.scatter [tilespmem:s9], [sflag:$0x4], $0x61A8, $0x38;
	[tilespmem:$0xC400] =	vst v63  }
0x19e: {  	_ =	swait.ge [sflag:s5], $0x61A8  }
0x19f: {  	[sflag:s5] =	ssyncset.done $0x0  }
0x1a0: {  	[sflag:s5] =	ssyncadd.s32 $0xFFFF9E58  }
0x1a1: {  	[tilespmem:s9], [sflag:$0x2] =	stream.linear.gather [hbm4b:s20+s2], $0x61A8, $0x38;
	[tilespmem:$0xC400] =	vst v63  }
0x1a2: {  	_ =	swait.ge [sflag:s8], $0x61A8  }
0x1a3: {  	[sflag:s8] =	ssyncset.done $0x0  }
0x1a4: {  	[sflag:s8] =	ssyncadd.s32 $0xFFFF9E58  }
0x1a5: {  	[hbm4b:s19+s2] =	stream.linear.scatter [tilespmem:s2], [sflag:$0x3], $0x61A8, $0x38;
	[tilespmem:$0xC400] =	vst v63  }
0x1a6: {  	_ =	swait.ge [sflag:s7], $0x61A8  }
0x1a7: {  	[sflag:s7] =	ssyncset.done $0x0  }
0x1a8: {  	[sflag:s7] =	ssyncadd.s32 $0xFFFF9E58  }
0x1a9: {  	[tilespmem:s2], [sflag:$0x1] =	stream.linear.gather [hbm4b:s18+s2], $0x61A8, $0x38;
	[tilespmem:$0xC400] =	vst v63  }
0x1aa: {  	_ =	swait.ge [sflag:s12], $0x61A8  }
0x1ab: {  	[sflag:s12] =	ssyncset.done $0x0  }
0x1ac: {  	[sflag:s12] =	ssyncadd.s32 $0xFFFF9E58  }
0x1ad: {  	[hbm4b:s16+s2] =	stream.linear.scatter [tilespmem:s9], [sflag:$0x4], $0x61A8, $0x38;
	[tilespmem:$0xC400] =	vst v63  }
0x1ae: {  	_ =	swait.ge [sflag:s5], $0x61A8  }
0x1af: {  	[sflag:s5] =	ssyncset.done $0x0  }
0x1b0: {  	[sflag:s5] =	ssyncadd.s32 $0xFFFF9E58  }
0x1b1: {  	[tilespmem:s9], [sflag:$0x2] =	stream.linear.gather [hbm4b:s15+s2], $0x61A8, $0x38;
	[tilespmem:$0xC400] =	vst v63  }
0x1b2: {  	_ =	swait.ge [sflag:s8], $0x61A8  }
0x1b3: {  	[sflag:s8] =	ssyncset.done $0x0  }
0x1b4: {  	[sflag:s8] =	ssyncadd.s32 $0xFFFF9E58  }
0x1b5: {  	[hbm4b:s17+s2] =	stream.linear.scatter [tilespmem:s2], [sflag:$0x3], $0x61A8, $0x38;
	[tilespmem:$0xC400] =	vst v63  }
0x1b6: {  	_ =	swait.ge [sflag:s7], $0x61A8  }
0x1b7: {  	[sflag:s7] =	ssyncset.done $0x0  }
0x1b8: {  	[sflag:s7] =	ssyncadd.s32 $0xFFFF9E58  }
0x1b9: {  	[tilespmem:s2], [sflag:$0x1] =	stream.linear.gather [hbm4b:s13+s2], $0x61A8, $0x38;
	[tilespmem:$0xC400] =	vst v63  }
0x1ba: {  	_ =	swait.ge [sflag:s12], $0x61A8  }
0x1bb: {  	[sflag:s12] =	ssyncset.done $0x0  }
0x1bc: {  	[sflag:s12] =	ssyncadd.s32 $0xFFFF9E58  }
0x1bd: {  	[hbm4b:s14+s2] =	stream.linear.scatter [tilespmem:s9], [sflag:$0x4], $0x61A8, $0x38;
	[tilespmem:$0xC400] =	vst v63  }
0x1be: {  	_ =	swait.ge [sflag:s5], $0x61A8  }
0x1bf: {  	[sflag:s5] =	ssyncset.done $0x0  }
0x1c0: {  	[sflag:s5] =	ssyncadd.s32 $0xFFFF9E58  }
0x1c1: {  	[tilespmem:s9], [sflag:$0x2] =	stream.linear.gather [hbm4b:s10+s2], $0x61A8, $0x38;
	[tilespmem:$0xC400] =	vst v63  }
0x1c2: {  	_ =	swait.ge [sflag:s8], $0x61A8  }
0x1c3: {  	[sflag:s8] =	ssyncset.done $0x0  }
0x1c4: {  	[sflag:s8] =	ssyncadd.s32 $0xFFFF9E58  }
0x1c5: {  	[hbm4b:s11+s2] =	stream.linear.scatter [tilespmem:s2], [sflag:$0x3], $0x61A8, $0x38;
	[tilespmem:$0xC400] =	vst v63  }
0x1c6: {  	_ =	swait.ge [sflag:s7], $0x61A8  }
0x1c7: {  	[sflag:s7] =	ssyncset.done $0x0  }
0x1c8: {  	[sflag:s7] =	ssyncadd.s32 $0xFFFF9E58  }
0x1c9: {  	[tilespmem:s2], [sflag:$0x1] =	stream.linear.gather [hbm4b:s3+s2], $0x61A8, $0x38;
	[tilespmem:$0xC400] =	vst v63  }
0x1ca: {  	_ =	swait.ge [sflag:s12], $0x61A8  }
0x1cb: {  	[sflag:s12] =	ssyncset.done $0x0  }
0x1cc: {  	[sflag:s12] =	ssyncadd.s32 $0xFFFF9E58  }
0x1cd: {  	[hbm4b:s4+s2] =	stream.linear.scatter [tilespmem:s9], [sflag:$0x4], $0x61A8, $0x38;
	[tilespmem:$0xC400] =	vst v63  }
0x1ce: {  	_ =	swait.ge [sflag:s8], $0x61A8  }
0x1cf: {  	[sflag:s8] =	ssyncset.done $0x0  }
0x1d0: {  	p1 =	sne.s32 s1, $0x1;
	[sflag:s8] =	ssyncadd.s32 $0xFFFF9E58  }
0x1d1: {  	[hbm4b:s6+s2] =	stream.linear.scatter [tilespmem:s2], [sflag:$0x3], $0x61A8, $0x38;
	[tilespmem:$0xC400] =	vst v63  }
.Ltmp2:
0x1d2: {  	_ =	swait.ge [sflag:s7], $0x61A8;
	(pc) =	sbr.rel @p1 .LBB2_2-.Ltmp2, $4  }
0x1d3: {  	[sflag:s7] =	ssyncset.done $0x0  }
0x1d4: {  	[sflag:s7] =	ssyncadd.s32 $0xFFFF9E58  }
0x1d5: {  	_ =	swait.ge [sflag:s5], $0x61A8  }
0x1d6: {  	s1 =	sadd.s32 $0xFFFFFFFF, s1;
	s0 =	rddreg [dreg:$0x3];
	[sflag:s5] =	ssyncset.done $0x0  }
.LBB2_3:
0x1d7: {  	[sflag:s5] =	ssyncadd.s32 @p0 $0xFFFF9E58  }
0x1d8: {  	[tilespmem:s2], [sflag:$0x1] =	stream.linear.gather [hbm4b:s0+s2], $0x61A8, $0x38;
	[tilespmem:$0xC400] =	vst v63  }
0x1d9: {  	s1 =	rddreg [dreg:$0x4]  }
0x1da: {  	[tilespmem:s9], [sflag:$0x2] =	stream.linear.gather [hbm4b:s1+s2], $0x61A8, $0x38;
	[tilespmem:$0xC400] =	vst v63  }
0x1db: {  	_ =	swait.ge [sflag:s8], $0x61A8  }
0x1dc: {  	[sflag:s8] =	ssyncset.done $0x0  }
0x1dd: {  	[sflag:s8] =	ssyncadd.s32 $0xFFFF9E58  }
0x1de: {  	[hbm4b:s31+s2] =	stream.linear.scatter [tilespmem:s2], [sflag:$0x3], $0x61A8, $0x38;
	[tilespmem:$0xC400] =	vst v63  }
0x1df: {  	_ =	swait.ge [sflag:s7], $0x61A8  }
0x1e0: {  	[sflag:s7] =	ssyncset.done $0x0  }
0x1e1: {  	s1 =	rddreg [dreg:$0x5];
	[sflag:s7] =	ssyncadd.s32 $0xFFFF9E58  }
0x1e2: {  	[tilespmem:s2], [sflag:$0x1] =	stream.linear.gather [hbm4b:s1+s2], $0x61A8, $0x38;
	[tilespmem:$0xC400] =	vst v63  }
0x1e3: {  	_ =	swait.ge [sflag:s12], $0x61A8  }
0x1e4: {  	[sflag:s12] =	ssyncset.done $0x0  }
0x1e5: {  	s31 =	rddreg [dreg:$0x6];
	[sflag:s12] =	ssyncadd.s32 $0xFFFF9E58  }
0x1e6: {  	[hbm4b:s31+s2] =	stream.linear.scatter [tilespmem:s9], [sflag:$0x4], $0x61A8, $0x38;
	[tilespmem:$0xC400] =	vst v63  }
0x1e7: {  	_ =	swait.ge [sflag:s5], $0x61A8  }
0x1e8: {  	[sflag:s5] =	ssyncset.done $0x0  }
0x1e9: {  	s1 =	rddreg [dreg:$0x7];
	[sflag:s5] =	ssyncadd.s32 $0xFFFF9E58  }
0x1ea: {  	[tilespmem:s9], [sflag:$0x2] =	stream.linear.gather [hbm4b:s1+s2], $0x61A8, $0x38;
	[tilespmem:$0xC400] =	vst v63  }
0x1eb: {  	_ =	swait.ge [sflag:s8], $0x61A8  }
0x1ec: {  	[sflag:s8] =	ssyncset.done $0x0  }
0x1ed: {  	s31 =	rddreg [dreg:$0x8];
	[sflag:s8] =	ssyncadd.s32 $0xFFFF9E58  }
0x1ee: {  	[hbm4b:s31+s2] =	stream.linear.scatter [tilespmem:s2], [sflag:$0x3], $0x61A8, $0x38;
	[tilespmem:$0xC400] =	vst v63  }
0x1ef: {  	_ =	swait.ge [sflag:s7], $0x61A8  }
0x1f0: {  	[sflag:s7] =	ssyncset.done $0x0  }
0x1f1: {  	s1 =	rddreg [dreg:$0x9];
	[sflag:s7] =	ssyncadd.s32 $0xFFFF9E58  }
0x1f2: {  	[tilespmem:s2], [sflag:$0x1] =	stream.linear.gather [hbm4b:s1+s2], $0x61A8, $0x38;
	[tilespmem:$0xC400] =	vst v63  }
0x1f3: {  	_ =	swait.ge [sflag:s12], $0x61A8  }
0x1f4: {  	[sflag:s12] =	ssyncset.done $0x0  }
0x1f5: {  	s31 =	rddreg [dreg:$0xa];
	[sflag:s12] =	ssyncadd.s32 $0xFFFF9E58  }
0x1f6: {  	[hbm4b:s31+s2] =	stream.linear.scatter [tilespmem:s9], [sflag:$0x4], $0x61A8, $0x38;
	[tilespmem:$0xC400] =	vst v63  }
0x1f7: {  	_ =	swait.ge [sflag:s5], $0x61A8  }
0x1f8: {  	[sflag:s5] =	ssyncset.done $0x0  }
0x1f9: {  	s1 =	rddreg [dreg:$0xb];
	[sflag:s5] =	ssyncadd.s32 $0xFFFF9E58  }
0x1fa: {  	[tilespmem:s9], [sflag:$0x2] =	stream.linear.gather [hbm4b:s1+s2], $0x61A8, $0x38;
	[tilespmem:$0xC400] =	vst v63  }
0x1fb: {  	_ =	swait.ge [sflag:s8], $0x61A8  }
0x1fc: {  	[sflag:s8] =	ssyncset.done $0x0  }
0x1fd: {  	s31 =	rddreg [dreg:$0xc];
	[sflag:s8] =	ssyncadd.s32 $0xFFFF9E58  }
0x1fe: {  	[hbm4b:s31+s2] =	stream.linear.scatter [tilespmem:s2], [sflag:$0x3], $0x61A8, $0x38;
	[tilespmem:$0xC400] =	vst v63  }
0x1ff: {  	_ =	swait.ge [sflag:s7], $0x61A8  }
0x200: {  	[sflag:s7] =	ssyncset.done $0x0  }
0x201: {  	s1 =	rddreg [dreg:$0xd];
	[sflag:s7] =	ssyncadd.s32 $0xFFFF9E58  }
0x202: {  	[tilespmem:s2], [sflag:$0x1] =	stream.linear.gather [hbm4b:s1+s2], $0x61A8, $0x38;
	[tilespmem:$0xC400] =	vst v63  }
0x203: {  	_ =	swait.ge [sflag:s12], $0x61A8  }
0x204: {  	[sflag:s12] =	ssyncset.done $0x0  }
0x205: {  	s31 =	rddreg [dreg:$0xe];
	[sflag:s12] =	ssyncadd.s32 $0xFFFF9E58  }
0x206: {  	[hbm4b:s31+s2] =	stream.linear.scatter [tilespmem:s9], [sflag:$0x4], $0x61A8, $0x38;
	[tilespmem:$0xC400] =	vst v63  }
0x207: {  	_ =	swait.ge [sflag:s5], $0x61A8  }
0x208: {  	[sflag:s5] =	ssyncset.done $0x0  }
0x209: {  	s1 =	rddreg [dreg:$0xf];
	[sflag:s5] =	ssyncadd.s32 $0xFFFF9E58  }
0x20a: {  	[tilespmem:s9], [sflag:$0x2] =	stream.linear.gather [hbm4b:s1+s2], $0x61A8, $0x38;
	[tilespmem:$0xC400] =	vst v63  }
0x20b: {  	_ =	swait.ge [sflag:s8], $0x61A8  }
0x20c: {  	[sflag:s8] =	ssyncset.done $0x0  }
0x20d: {  	s31 =	rddreg [dreg:$0x10];
	[sflag:s8] =	ssyncadd.s32 $0xFFFF9E58  }
0x20e: {  	[hbm4b:s31+s2] =	stream.linear.scatter [tilespmem:s2], [sflag:$0x3], $0x61A8, $0x38;
	[tilespmem:$0xC400] =	vst v63  }
0x20f: {  	_ =	swait.ge [sflag:s7], $0x61A8  }
0x210: {  	[sflag:s7] =	ssyncset.done $0x0  }
0x211: {  	s1 =	rddreg [dreg:$0x11];
	[sflag:s7] =	ssyncadd.s32 $0xFFFF9E58  }
0x212: {  	[tilespmem:s2], [sflag:$0x1] =	stream.linear.gather [hbm4b:s1+s2], $0x61A8, $0x38;
	[tilespmem:$0xC400] =	vst v63  }
0x213: {  	_ =	swait.ge [sflag:s12], $0x61A8  }
0x214: {  	[sflag:s12] =	ssyncset.done $0x0  }
0x215: {  	s31 =	rddreg [dreg:$0x12];
	[sflag:s12] =	ssyncadd.s32 $0xFFFF9E58  }
0x216: {  	[hbm4b:s31+s2] =	stream.linear.scatter [tilespmem:s9], [sflag:$0x4], $0x61A8, $0x38;
	[tilespmem:$0xC400] =	vst v63  }
0x217: {  	_ =	swait.ge [sflag:s5], $0x61A8  }
0x218: {  	[sflag:s5] =	ssyncset.done $0x0  }
0x219: {  	s1 =	rddreg [dreg:$0x13];
	[sflag:s5] =	ssyncadd.s32 $0xFFFF9E58  }
0x21a: {  	[tilespmem:s9], [sflag:$0x2] =	stream.linear.gather [hbm4b:s1+s2], $0x61A8, $0x38;
	[tilespmem:$0xC400] =	vst v63  }
0x21b: {  	_ =	swait.ge [sflag:s8], $0x61A8  }
0x21c: {  	[sflag:s8] =	ssyncset.done $0x0  }
0x21d: {  	s31 =	rddreg [dreg:$0x14];
	[sflag:s8] =	ssyncadd.s32 $0xFFFF9E58  }
0x21e: {  	[hbm4b:s31+s2] =	stream.linear.scatter [tilespmem:s2], [sflag:$0x3], $0x61A8, $0x38;
	[tilespmem:$0xC400] =	vst v63  }
0x21f: {  	_ =	swait.ge [sflag:s7], $0x61A8  }
0x220: {  	[sflag:s7] =	ssyncset.done $0x0  }
0x221: {  	s1 =	rddreg [dreg:$0x15];
	[sflag:s7] =	ssyncadd.s32 $0xFFFF9E58  }
0x222: {  	[tilespmem:s2], [sflag:$0x1] =	stream.linear.gather [hbm4b:s1+s2], $0x61A8, $0x38;
	[tilespmem:$0xC400] =	vst v63  }
0x223: {  	_ =	swait.ge [sflag:s12], $0x61A8  }
0x224: {  	[sflag:s12] =	ssyncset.done $0x0  }
0x225: {  	s31 =	rddreg [dreg:$0x16];
	[sflag:s12] =	ssyncadd.s32 $0xFFFF9E58  }
0x226: {  	[hbm4b:s31+s2] =	stream.linear.scatter [tilespmem:s9], [sflag:$0x4], $0x61A8, $0x38;
	[tilespmem:$0xC400] =	vst v63  }
0x227: {  	_ =	swait.ge [sflag:s5], $0x61A8  }
0x228: {  	[sflag:s5] =	ssyncset.done $0x0  }
0x229: {  	s1 =	rddreg [dreg:$0x17];
	[sflag:s5] =	ssyncadd.s32 $0xFFFF9E58  }
0x22a: {  	[tilespmem:s9], [sflag:$0x2] =	stream.linear.gather [hbm4b:s1+s2], $0x61A8, $0x38;
	[tilespmem:$0xC400] =	vst v63  }
0x22b: {  	_ =	swait.ge [sflag:s8], $0x61A8  }
0x22c: {  	[sflag:s8] =	ssyncset.done $0x0  }
0x22d: {  	s31 =	rddreg [dreg:$0x18];
	[sflag:s8] =	ssyncadd.s32 $0xFFFF9E58  }
0x22e: {  	[hbm4b:s31+s2] =	stream.linear.scatter [tilespmem:s2], [sflag:$0x3], $0x61A8, $0x38;
	[tilespmem:$0xC400] =	vst v63  }
0x22f: {  	_ =	swait.ge [sflag:s7], $0x61A8  }
0x230: {  	[sflag:s7] =	ssyncset.done $0x0  }
0x231: {  	s1 =	rddreg [dreg:$0x19];
	[sflag:s7] =	ssyncadd.s32 $0xFFFF9E58  }
0x232: {  	[tilespmem:s2], [sflag:$0x1] =	stream.linear.gather [hbm4b:s1+s2], $0x61A8, $0x38;
	[tilespmem:$0xC400] =	vst v63  }
0x233: {  	_ =	swait.ge [sflag:s12], $0x61A8  }
0x234: {  	[sflag:s12] =	ssyncset.done $0x0  }
0x235: {  	s31 =	rddreg [dreg:$0x1a];
	[sflag:s12] =	ssyncadd.s32 $0xFFFF9E58  }
0x236: {  	[hbm4b:s31+s2] =	stream.linear.scatter [tilespmem:s9], [sflag:$0x4], $0x61A8, $0x38;
	[tilespmem:$0xC400] =	vst v63  }
0x237: {  	_ =	swait.ge [sflag:s5], $0x61A8  }
0x238: {  	[sflag:s5] =	ssyncset.done $0x0  }
0x239: {  	s1 =	rddreg [dreg:$0x1b];
	[sflag:s5] =	ssyncadd.s32 $0xFFFF9E58  }
0x23a: {  	[tilespmem:s9], [sflag:$0x2] =	stream.linear.gather [hbm4b:s1+s2], $0x61A8, $0x38;
	[tilespmem:$0xC400] =	vst v63  }
0x23b: {  	_ =	swait.ge [sflag:s8], $0x61A8  }
0x23c: {  	[sflag:s8] =	ssyncset.done $0x0  }
0x23d: {  	s31 =	rddreg [dreg:$0x1c];
	[sflag:s8] =	ssyncadd.s32 $0xFFFF9E58  }
0x23e: {  	[hbm4b:s31+s2] =	stream.linear.scatter [tilespmem:s2], [sflag:$0x3], $0x61A8, $0x38;
	[tilespmem:$0xC400] =	vst v63  }
0x23f: {  	_ =	swait.ge [sflag:s7], $0x61A8  }
0x240: {  	[sflag:s7] =	ssyncset.done $0x0  }
0x241: {  	s1 =	rddreg [dreg:$0x1d];
	[sflag:s7] =	ssyncadd.s32 $0xFFFF9E58  }
0x242: {  	[tilespmem:s2], [sflag:$0x1] =	stream.linear.gather [hbm4b:s1+s2], $0x61A8, $0x38;
	[tilespmem:$0xC400] =	vst v63  }
0x243: {  	_ =	swait.ge [sflag:s12], $0x61A8  }
0x244: {  	[sflag:s12] =	ssyncset.done $0x0  }
0x245: {  	[sflag:s12] =	ssyncadd.s32 $0xFFFF9E58  }
0x246: {  	[hbm4b:s30+s2] =	stream.linear.scatter [tilespmem:s9], [sflag:$0x4], $0x61A8, $0x38;
	[tilespmem:$0xC400] =	vst v63  }
0x247: {  	_ =	swait.ge [sflag:s5], $0x61A8  }
0x248: {  	[sflag:s5] =	ssyncset.done $0x0  }
0x249: {  	[sflag:s5] =	ssyncadd.s32 $0xFFFF9E58  }
0x24a: {  	[tilespmem:s9], [sflag:$0x2] =	stream.linear.gather [hbm4b:s29+s2], $0x61A8, $0x38;
	[tilespmem:$0xC400] =	vst v63  }
0x24b: {  	_ =	swait.ge [sflag:s8], $0x61A8  }
0x24c: {  	[sflag:s8] =	ssyncset.done $0x0  }
0x24d: {  	[sflag:s8] =	ssyncadd.s32 $0xFFFF9E58  }
0x24e: {  	[hbm4b:s28+s2] =	stream.linear.scatter [tilespmem:s2], [sflag:$0x3], $0x61A8, $0x38;
	[tilespmem:$0xC400] =	vst v63  }
0x24f: {  	_ =	swait.ge [sflag:s7], $0x61A8  }
0x250: {  	[sflag:s7] =	ssyncset.done $0x0  }
0x251: {  	[sflag:s7] =	ssyncadd.s32 $0xFFFF9E58  }
0x252: {  	[tilespmem:s2], [sflag:$0x1] =	stream.linear.gather [hbm4b:s26+s2], $0x61A8, $0x38;
	[tilespmem:$0xC400] =	vst v63  }
0x253: {  	_ =	swait.ge [sflag:s12], $0x61A8  }
0x254: {  	[sflag:s12] =	ssyncset.done $0x0  }
0x255: {  	[sflag:s12] =	ssyncadd.s32 $0xFFFF9E58  }
0x256: {  	[hbm4b:s25+s2] =	stream.linear.scatter [tilespmem:s9], [sflag:$0x4], $0x61A8, $0x38;
	[tilespmem:$0xC400] =	vst v63  }
0x257: {  	_ =	swait.ge [sflag:s5], $0x61A8  }
0x258: {  	[sflag:s5] =	ssyncset.done $0x0  }
0x259: {  	[sflag:s5] =	ssyncadd.s32 $0xFFFF9E58  }
0x25a: {  	[tilespmem:s9], [sflag:$0x2] =	stream.linear.gather [hbm4b:s24+s2], $0x61A8, $0x38;
	[tilespmem:$0xC400] =	vst v63  }
0x25b: {  	_ =	swait.ge [sflag:s8], $0x61A8  }
0x25c: {  	[sflag:s8] =	ssyncset.done $0x0  }
0x25d: {  	[sflag:s8] =	ssyncadd.s32 $0xFFFF9E58  }
0x25e: {  	[hbm4b:s23+s2] =	stream.linear.scatter [tilespmem:s2], [sflag:$0x3], $0x61A8, $0x38;
	[tilespmem:$0xC400] =	vst v63  }
0x25f: {  	_ =	swait.ge [sflag:s7], $0x61A8  }
0x260: {  	[sflag:s7] =	ssyncset.done $0x0  }
0x261: {  	[sflag:s7] =	ssyncadd.s32 $0xFFFF9E58  }
0x262: {  	[tilespmem:s2], [sflag:$0x1] =	stream.linear.gather [hbm4b:s22+s2], $0x61A8, $0x38;
	[tilespmem:$0xC400] =	vst v63  }
0x263: {  	_ =	swait.ge [sflag:s12], $0x61A8  }
0x264: {  	[sflag:s12] =	ssyncset.done $0x0  }
0x265: {  	[sflag:s12] =	ssyncadd.s32 $0xFFFF9E58  }
0x266: {  	[hbm4b:s21+s2] =	stream.linear.scatter [tilespmem:s9], [sflag:$0x4], $0x61A8, $0x38;
	[tilespmem:$0xC400] =	vst v63  }
0x267: {  	_ =	swait.ge [sflag:s5], $0x61A8  }
0x268: {  	[sflag:s5] =	ssyncset.done $0x0  }
0x269: {  	[sflag:s5] =	ssyncadd.s32 $0xFFFF9E58  }
0x26a: {  	[tilespmem:s9], [sflag:$0x2] =	stream.linear.gather [hbm4b:s20+s2], $0x61A8, $0x38;
	[tilespmem:$0xC400] =	vst v63  }
0x26b: {  	_ =	swait.ge [sflag:s8], $0x61A8  }
0x26c: {  	[sflag:s8] =	ssyncset.done $0x0  }
0x26d: {  	[sflag:s8] =	ssyncadd.s32 $0xFFFF9E58  }
0x26e: {  	[hbm4b:s19+s2] =	stream.linear.scatter [tilespmem:s2], [sflag:$0x3], $0x61A8, $0x38;
	[tilespmem:$0xC400] =	vst v63  }
0x26f: {  	_ =	swait.ge [sflag:s7], $0x61A8  }
0x270: {  	[sflag:s7] =	ssyncset.done $0x0  }
0x271: {  	[sflag:s7] =	ssyncadd.s32 $0xFFFF9E58  }
0x272: {  	[tilespmem:s2], [sflag:$0x1] =	stream.linear.gather [hbm4b:s18+s2], $0x61A8, $0x38;
	[tilespmem:$0xC400] =	vst v63  }
0x273: {  	_ =	swait.ge [sflag:s12], $0x61A8  }
0x274: {  	[sflag:s12] =	ssyncset.done $0x0  }
0x275: {  	[sflag:s12] =	ssyncadd.s32 $0xFFFF9E58  }
0x276: {  	[hbm4b:s16+s2] =	stream.linear.scatter [tilespmem:s9], [sflag:$0x4], $0x61A8, $0x38;
	[tilespmem:$0xC400] =	vst v63  }
0x277: {  	_ =	swait.ge [sflag:s5], $0x61A8  }
0x278: {  	[sflag:s5] =	ssyncset.done $0x0  }
0x279: {  	[sflag:s5] =	ssyncadd.s32 $0xFFFF9E58  }
0x27a: {  	[tilespmem:s9], [sflag:$0x2] =	stream.linear.gather [hbm4b:s15+s2], $0x61A8, $0x38;
	[tilespmem:$0xC400] =	vst v63  }
0x27b: {  	_ =	swait.ge [sflag:s8], $0x61A8  }
0x27c: {  	[sflag:s8] =	ssyncset.done $0x0  }
0x27d: {  	[sflag:s8] =	ssyncadd.s32 $0xFFFF9E58  }
0x27e: {  	[hbm4b:s17+s2] =	stream.linear.scatter [tilespmem:s2], [sflag:$0x3], $0x61A8, $0x38;
	[tilespmem:$0xC400] =	vst v63  }
0x27f: {  	_ =	swait.ge [sflag:s7], $0x61A8  }
0x280: {  	[sflag:s7] =	ssyncset.done $0x0  }
0x281: {  	[sflag:s7] =	ssyncadd.s32 $0xFFFF9E58  }
0x282: {  	[tilespmem:s2], [sflag:$0x1] =	stream.linear.gather [hbm4b:s13+s2], $0x61A8, $0x38;
	[tilespmem:$0xC400] =	vst v63  }
0x283: {  	_ =	swait.ge [sflag:s12], $0x61A8  }
0x284: {  	[sflag:s12] =	ssyncset.done $0x0  }
0x285: {  	[sflag:s12] =	ssyncadd.s32 $0xFFFF9E58  }
0x286: {  	[hbm4b:s14+s2] =	stream.linear.scatter [tilespmem:s9], [sflag:$0x4], $0x61A8, $0x38;
	[tilespmem:$0xC400] =	vst v63  }
0x287: {  	_ =	swait.ge [sflag:s5], $0x61A8  }
0x288: {  	[sflag:s5] =	ssyncset.done $0x0  }
0x289: {  	[sflag:s5] =	ssyncadd.s32 $0xFFFF9E58  }
0x28a: {  	[tilespmem:s9], [sflag:$0x2] =	stream.linear.gather [hbm4b:s10+s2], $0x61A8, $0x38;
	[tilespmem:$0xC400] =	vst v63  }
0x28b: {  	_ =	swait.ge [sflag:s8], $0x61A8  }
0x28c: {  	[sflag:s8] =	ssyncset.done $0x0  }
0x28d: {  	[sflag:s8] =	ssyncadd.s32 $0xFFFF9E58  }
0x28e: {  	[hbm4b:s11+s2] =	stream.linear.scatter [tilespmem:s2], [sflag:$0x3], $0x61A8, $0x38;
	[tilespmem:$0xC400] =	vst v63  }
0x28f: {  	_ =	swait.ge [sflag:s7], $0x61A8  }
0x290: {  	[sflag:s7] =	ssyncset.done $0x0  }
0x291: {  	[sflag:s7] =	ssyncadd.s32 $0xFFFF9E58  }
0x292: {  	[tilespmem:s2], [sflag:$0x1] =	stream.linear.gather [hbm4b:s3+s2], $0x61A8, $0x38;
	[tilespmem:$0xC400] =	vst v63  }
0x293: {  	_ =	swait.ge [sflag:s12], $0x61A8  }
0x294: {  	[sflag:s12] =	ssyncset.done $0x0  }
0x295: {  	[sflag:s12] =	ssyncadd.s32 $0xFFFF9E58  }
0x296: {  	[hbm4b:s4+s2] =	stream.linear.scatter [tilespmem:s9], [sflag:$0x4], $0x61A8, $0x38;
	[tilespmem:$0xC400] =	vst v63  }
0x297: {  	_ =	swait.ge [sflag:s8], $0x61A8  }
0x298: {  	[sflag:s8] =	ssyncset.done $0x0  }
0x299: {  	[sflag:s8] =	ssyncadd.s32 $0xFFFF9E58  }
0x29a: {  	[hbm4b:s6+s2] =	stream.linear.scatter [tilespmem:s2], [sflag:$0x3], $0x61A8, $0x38;
	[tilespmem:$0xC400] =	vst v63  }
0x29b: {  	_ =	swait.ge [sflag:s7], $0x61A8  }
0x29c: {  	[sflag:s7] =	ssyncset.done $0x0  }
0x29d: {  	[sflag:s7] =	ssyncadd.s32 $0xFFFF9E58  }
0x29e: {  	_ =	swait.ge [sflag:s5], $0x61A8  }
0x29f: {  	[sflag:s5] =	ssyncset.done $0x0  }
0x2a0: {  	[sflag:s5] =	ssyncadd.s32 $0xFFFF9E58  }
0x2a1: {  	_ =	sfence.sel $0x180000  }
0x2a2: {  	[bflag:$0x0] =	sbarrier.arrive $0xFFFF  }
0x2a3: {  	_ =	strace $0x90000047  }
0x2a4: {  	s31 =	stileid.u32;
	[bflag:$0x2] =	sbarrier.arrive $0xFFFF  }
0x2a5: {  	p0 =	sne.s32 s31, $0x0;
	s0 =	rddreg [dreg:$0x2]  }
0x2a6: {  	s0 =	sadd.s32 @!p0 $0x100000, s0  }
0x2a7: {  	[sflag:s0] =	ssyncadd.tile.s32 @!p0 $0x1;
	_ =	shalt  }
.Lfunc_end2:
_tile_overlayer_lowered:
.L_overlay_start_2:
0x2a8: {  	(tag) =	ssettag $0x2  }
0x2a9: {  	s0 =	rddreg [dreg:$0x0];
	s2 =	stileid.u32  }
0x2aa: {  	s1 =	rddreg [dreg:$0x1];
	p0 =	sne.s32 s2, $0x0  }
0x2ab: {  	s3 =	rddreg [dreg:$0x2];
	[bflag:$0x3] =	sbarrier.arrive $0xFFFF;
	s2 =	simm.s32 @!p0 $0x1C05  }
0x2ac: {  	[timem:s3], [sflag:s2] =	dma.local @!p0 [hbm:s0], s1  }
0x2ad: {  	s0 =	simm.s32 @!p0 $0x5  }
0x2ae: {  	_ =	swait.ge @!p0 [sflag:s0], s1  }
0x2af: {  	s1 =	ssub.s32 @!p0 $0x0, s1;
	[sflag:s0] =	ssyncset.done @!p0 $0x0  }
0x2b0: {  	[sflag:s0] =	ssyncadd.s32 @!p0 s1  }
0x2b1: {  	[bflag:$0x3] =	sbarrier.arrive $0xFFFF  }
0x2b2: {  	_ =	shalt  }

// kernel: sparse-core-data-format-call.cloned.1.call-start
scs
called_computation_lowered:
.L_overlay_start_0:
0x0: {  	s2 =	sld [smem:$0x3FD9]  }
0x1: {  	s3 =	sld [smem:$0x3FFE];
	_ =	sdelay $0x1  }
0x2: {  	s1 =	srdreg.scid  }
0x3: {  	s0 =	sand.u32 $0x1, s1  }
0x4: {  	s18 =	sshll.u32 s0, $0xA;
	s2 =	sadd.s32 s3, s2  }
0x5: {  	s2 =	sadd.s32 s2, s18  }
0x6: {  	[smem:$0x3FC7] =	sst s2  }
0x7: {  	_ = 	snop  }
0x8: {  	s2 =	sld [smem:$0x3FD0];
	(tm) =	ssettm $0x1  }
0x9: {  	s19 =	sld [smem:$0x3FFB];
	_ =	sdelay $0x3  }
0xa: {  	_ =	strace s19  }
0xb: {  	s3 =	sld [smem:$0x3FFC];
	_ =	sdelay $0x3  }
0xc: {  	_ =	strace s3  }
0xd: {  	s3 =	sld [smem:$0x3FFD];
	_ =	sdelay $0x3  }
0xe: {  	_ =	strace s3  }
0xf: {  	_ =	strace $0x8FFFFFFF  }
0x10: {  	s20 =	sld [smem:$0x3FDB];
	_ =	sdelay $0x1  }
0x11: {  	s4 =	simm.s32 $_scs_section_size  }
0x12: {  	s5 =	simm.s32 $_size__tile_overlayer_lowered;
	s6 =	simm.s32 $_tile_overlayer_lowered  }
0x13: {  	s23 =	simm.s32 $0x1BFF;
	s22 =	sshll.u32 s6, $0x1;
	s3 =	sadd.s32 s4, s20  }
0x14: {  	s7 =	simm.s32 $0x0;
	s21 =	sshll.u32 s5, $0x1;
	s5 =	sadd.s32 s22, s3  }
0x15: {  	[timem:s7], [sflag:s23] =	dma.local [hbm:s5], s21  }
0x16: {  	_ =	swait.ge [sflag:s23], s21  }
0x17: {  	s4 =	ssub.s32 $0x0, s21;
	[sflag:s23] =	ssyncset.done $0x0  }
0x18: {  	[sflag:s23] =	ssyncadd.s32 s4;
	_ =	sdelay $0x1  }
0x19: {  	s24 =	simm.s32 $0x1B8B  }
0x1a: {  	_ =	swait.ge [sflag:s24], $0x1  }
0x1b: {  	[sflag:s24] =	ssyncset.done $0x0  }
0x1c: {  	s26 =	simm.s32 $0x1B8E;
	s25 =	sld [smem:$0x3FFE];
	[sflag:s24] =	ssyncadd.s32 $0xFFFFFFFF  }
0x1d: {  	s27 =	simm.s32 $execute0_lowered;
	[smem:$0x3FD2] =	sst s26  }
0x1e: {  	s5 =	sshll.u32 s27, $0x1;
	_ =	strace $0x80000049;
	[dreg:$0x1] =	wrdreg $0xFFFFFFFF  }
0x1f: {  	s28 =	simm.s32 $_size_execute0_lowered;
	s3 =	sadd.s32 s3, s5;
	[dreg:$0x0] =	wrdreg $0x0  }
0x20: {  	s5 =	sshll.u32 s28, $0x1;
	[dreg:$0x2] =	wrdreg s3  }
0x21: {  	[dreg:$0x3] =	wrdreg s5  }
0x22: {  	[dreg:$0x4] =	wrdreg $0xC0  }
0x23: {  	_ =	task [dreg:s7], $0x5FFFF  }
0x24: {  	[dreg:$0x1] =	wrdreg $0xFFFFFFFF  }
0x25: {  	[dreg:$0x0] =	wrdreg $0x60  }
0x26: {  	[dreg:$0x2] =	wrdreg s25  }
0x27: {  	[dreg:$0x3] =	wrdreg s2  }
0x28: {  	[dreg:$0x4] =	wrdreg $0x9  }
0x29: {  	_ =	task.clear_ibuf [dreg:s7], $0x5FFFF;
	_ =	strace $0x90000049  }
0x2a: {  	s29 =	simm.s32 $0x9;
	_ =	strace $0x8000004B  }
0x2b: {  	_ =	swait.ge [sflag:s29], $0x1  }
0x2c: {  	[sflag:s29] =	ssyncadd.s32 $0xFFFFFFFF  }
0x2d: {  	_ =	strace $0x9000004B  }
0x2e: {  	_ =	sfence  }
0x2f: {  	s30 =	sld [smem:$0x0];
	_ =	sdelay $0x2  }
0x30: {  	s31 =	sshll.u32 s1, $0xD;
	s1 =	sshrl.u32 s1, $0x2  }
0x31: {  	s3 =	sand.u32 $0x4000, s31;
	s1 =	sadd.s32 s1, s30  }
0x32: {  	s0 =	sor.u32 s3, s0;
	s1 =	sshll.u32 s1, $0x11  }
0x33: {  	s0 =	sor.u32 s1, s0  }
0x34: {  	s0 =	sadd.s32 $0x8F2B, s0  }
0x35: {  	[sflag:s0] =	ssyncadd.remote.s32 $0x1  }
0x36: {  	_ =	sfence.sel $0xFFFF  }
0x37: {  	[dreg:$0x0] =	wrdreg $0xFFFFFFFF;
	(pc) =	sbr.abs _section_cstart, $3  }
0x38: {  	[dreg:$0x1] =	wrdreg $0xFFFFFFFF  }
0x39: {  	_ =	task.clear_ibuf [dreg:s7], $0x2FFFF;
	_ =	strace $0x9FFFFFFF  }
0x3a: {  	(tm) =	ssettm $0x7FFFFFFF  }
0x3b: {  	_ =	shalt  }
tec
execute0_lowered:
.L_overlay_start_1:
0x0: {  	(tag) =	ssettag $0x1  }
0x1: {  	s0 =	srdreg.scid  }
0x2: {  	s5 =	rddreg [dreg:$0x0];
	s1 =	sshll.u32 s0, $0x4  }
0x3: {  	s3 =	rddreg [dreg:$0x1];
	s0 =	stileid.u32;
	s1 =	sand.u32 $0x10, s1  }
0x4: {  	s31 =	simm.s32 $0x2;
	s12 =	simm.s32 $0x0;
	s1 =	sor.u32 s0, s1  }
0x5: {  	p0 =	por $0x0, $0x0;
	s11 =	simm.s32 $0x0;
	s2 =	sshll.u32 s1, $0x7  }
.Ltmp0:
0x6: {  	s8 =	simm.s32 $0x0;
	s4 =	ssub.s32 $0xF4200, s2;
	(pc) =	sbr.rel .LBB1_1-.Ltmp0, $4  }
0x7: {  	s10 =	simm.s32 $0x0;
	s1 =	rddreg [dreg:$0x2];
	s6 =	sshrl.u32 s4, $0xC  }
0x8: {  	_ =	strace $0x8000004A;
	s4 =	simm.s32 $0x1;
	s7 =	smul.u32 $0x3, s6  }
0x9: {  	s5 =	sadd.s32 $0x262E00, s5;
	s9 =	smov.u32 s2;
	[sflag:s4] =	ssyncpa.u1 $0x0  }
0xa: {  	[sflag:s31] =	ssyncpa.u1 $0x0;
	s6 =	sadd.s32 $0x3, s7;
	s7 =	sadd.s32 $0x4, s7  }
.LBB1_5:
0xb: {  	s13 =	sadd.s32 $0x8, s8  }
0xc: {  	s11 =	sadd.s32 $0x1000, s9;
	s15 =	smov.u32 s9;
	p2 =	sgt.s32 s13, $0x13  }
0xd: {  	s15 =	smov.u32 @p2 s11  }
0xe: {  	s13 =	simm.s32 @p2 $0x0;
	p2 =	sgt.s32 s15, $0xF423F  }
0xf: {  	s15 =	smov.u32 @p2 s2;
	p2 =	sne.s32 s10, s7  }
.Ltmp1:
0x10: {  	p1 =	slt.u32 s10, $0x2;
	(pc) =	sbr.rel @!p2 .LBB1_6-.Ltmp1, $4  }
0x11: {  	s14 =	simm.s32 @!p1 $0x2  }
0x12: {  	s12 =	smov.u32 s8;
	p0 =	por !p0, !p0;
	_ =	swait.ge @!p1 [sflag:s14], $0x400  }
0x13: {  	s11 =	smov.u32 s9;
	[sflag:s14] =	ssyncset.done @!p1 $0x0;
	s8 =	smov.u32 s13  }
0x14: {  	s10 =	sadd.s32 $0x1, s10;
	[sflag:s14] =	ssyncadd.s32 @!p1 $0xFFFFFC00;
	s9 =	smov.u32 s15  }
.LBB1_1:
0x15: {  	p1 =	sge.u32 s10, s6  }
0x16: {  	s13 =	sshll.u32 @!p1 s9, $0x7  }
0x17: {  	s14 =	sshll.u32 @!p1 s8, $0x3;
	p2 =	sgt.s32 @!p1 s9, $0xF41C0;
	s16 =	sshra.s32 @!p1 s8, $0x1F  }
0x18: {  	s15 =	sand.u32 @!p1 $0xFFFFFC00, s13;
	s14 =	sand.u32 @!p1 $0xFFFFFC00, s14;
	s13 =	sand.u32 @!p1 $0x380, s13  }
0x19: {  	p2 =	por !p2, p1;
	s16 =	sand.u32 @!p1 s16, s8;
	s14 =	sadd.s32 @!p1 s15, s14  }
0x1a: {  	s15 =	sshra.s32 @!p1 s9, $0x1F;
	s13 =	sor.u32 @!p1 s13, s14;
	s14 =	smov.u32 s9  }
0x1b: {  	s15 =	sand.u32 @!p1 s15, s9;
	s14 =	simm.s32 @p2 $0xF41C0;
	p2 =	sgt.s32 @!p1 s8, $0x78  }
0x1c: {  	s14 =	ssub.s32 @!p1 s14, s15;
	p2 =	por !p2, p1;
	s15 =	smov.u32 s8  }
0x1d: {  	s13 =	sshrl.u32 @!p1 s13, $0x7;
	s17 =	sadd.s32 @!p1 $0xFFF0BE40, s14;
	s15 =	simm.s32 @p2 $0x78  }
0x1e: {  	s14 =	ssub.s32 @!p1 $0xF4240, s14;
	p2 =	sgt.s32 @!p1 s17, $0x7F;
	s15 =	ssub.s32 @!p1 s15, s16  }
0x1f: {  	s17 =	smulhi.u32 @!p1 $0x218DEF5, s13;
	p2 =	por !p2, p1;
	s16 =	sadd.s32 @!p1 $0xFFFFFF88, s15  }
0x20: {  	s14 =	simm.s32 @!p2 $0x0;
	p2 =	sgt.s32 @!p1 s16, $0x7  }
0x21: {  	s15 =	ssub.s32 @!p1 $0x80, s15;
	s16 =	sshrl.u32 @!p1 s17, $0xD;
	p2 =	por !p2, p1  }
0x22: {  	s17 =	sxor.u32 @!p1 $0xFFFFFFFF, s10;
	s16 =	smul.u32 @!p1 $0xF4240, s16;
	s15 =	simm.s32 @!p2 $0x0  }
0x23: {  	s17 =	sshll.u32 @!p1 s17, $0xA;
	s14 =	smul.u32 @!p1 s14, s15  }
0x24: {  	s15 =	sand.u32 @!p1 $0x400, s17;
	s13 =	ssub.s32 @!p1 s13, s16;
	s16 =	sshrl.u32 @!p1 s8, $0x3  }
0x25: {  	s17 =	sand.u32 @!p1 $0x7, s8;
	s16 =	sand.u32 @!p1 $0xF, s16;
	s13 =	sshll.u32 @!p1 s13, $0x4  }
0x26: {  	s17 =	sshll.u32 @!p1 s17, $0x12;
	s14 =	sand.u32 @!p1 $0x3FFFFFFF, s14;
	s16 =	sadd.s32 @!p1 s5, s16  }
0x27: {  	s13 =	sadd.s32 @!p1 s13, s16;
	s16 =	sor.u32 @!p1 $0x8, s17;
	s17 =	simm.s32 @!p1 $0x80  }
0x28: {  	[tilespmem:s15], [sflag:$0x1] =	stream.strided.gather @!p1 [hbm4b:s13+s16], s14, s17, s16, $0x38;
	[tilespmem:$0x1010] =	vst v63  }
0x29: {  	p1 =	seq.s32 s10, $0x0  }
0x2a: {  	p2 =	sge.u32 @!p1 s10, s7  }
0x2b: {  	p1 =	por p1, p2  }
.Ltmp2:
0x2c: {  	_ = 	snop;
	(pc) =	sbr.rel @p1 .LBB1_5-.Ltmp2, $1  }
0x2d: {  	_ =	sdelay $0x3  }
0x2e: {  	p1 =	sgt.s32 s11, $0xF41C0  }
0x2f: {  	s13 =	smov.u32 s11;
	s14 =	sshra.s32 s11, $0x1F;
	s15 =	smov.u32 s12  }
0x30: {  	s16 =	sshra.s32 s12, $0x1F;
	s13 =	simm.s32 @!p1 $0xF41C0;
	p1 =	sgt.s32 s12, $0x78  }
0x31: {  	s14 =	sand.u32 s14, s11;
	s28 =	sand.u32 s16, s12;
	s15 =	simm.s32 @!p1 $0x78  }
0x32: {  	s13 =	ssub.s32 s13, s14;
	s14 =	ssub.s32 s15, s28  }
0x33: {  	s29 =	sadd.s32 $0xFFF0BE40, s13;
	s13 =	ssub.s32 $0xF4240, s13;
	s15 =	sadd.s32 $0xFFFFFF88, s14  }
0x34: {  	p1 =	sgt.s32 s29, $0x7F;
	s14 =	ssub.s32 $0x80, s14;
	p2 =	sgt.s32 s15, $0x7  }
0x35: {  	s13 =	simm.s32 @p1 $0x0;
	s14 =	simm.s32 @p2 $0x0  }
0x36: {  	s13 =	smul.u32 s13, s14;
	_ =	sdelay $0x1  }
0x37: {  	s14 =	simm.s32 $0x1;
	s13 =	sand.u32 $0x3FFFFFFF, s13  }
0x38: {  	s14 =	simm.s32 @!p0 $0x0;
	_ =	swait.ge [sflag:s4], s13  }
0x39: {  	s30 =	sshll.u32 s14, $0xA;
	s13 =	ssub.s32 $0x0, s13;
	[sflag:s4] =	ssyncset.done $0x0  }
0x3a: {  	s22 =	sor.u32 $0x20, s30;
	[sflag:s4] =	ssyncadd.s32 s13  }
0x3b: {  	v0 =	vld.msk [tilespmem:s22+$0xFFFFFFE0], $0xff  }
0x3c: {  	s31 =	smul.u32 $0x1020, s14;
	_ =	sdelay $0x1  }
0x3d: {  	s13 =	sshrl.u32 s31, $0x2  }
0x3e: {  	s13 =	sor.u32 $0x807, s13  }
0x3f: {  	[tilespmem:s13+$0xFFFFFFF9 ss:$0x81] =	vst.msk $0xff, v0  }
0x40: {  	v0 =	vld.msk [tilespmem:s22+$0xFFFFFFE8], $0xff  }
0x41: {  	s16 =	sadd.s32 $0x40, s22  }
0x42: {  	v1 =	vld.msk [tilespmem:s16+$0xFFFFFFE0], $0xff;
	_ =	sdelay $0x2  }
0x43: {  	[tilespmem:s13+$0xFFFFFFFA ss:$0x81] =	vst.msk $0xff, v0  }
0x44: {  	s14 =	sadd.s32 $0x8, s13;
	v0 =	vld.msk [tilespmem:s22+$0xFFFFFFF0], $0xff  }
0x45: {  	[tilespmem:s14+$0xFFFFFFF9 ss:$0x81] =	vst.msk $0xff, v1  }
0x46: {  	v1 =	vld.msk [tilespmem:s16+$0xFFFFFFE8], $0xff  }
0x47: {  	s17 =	sadd.s32 $0x40, s16  }
0x48: {  	v2 =	vld.msk [tilespmem:s17+$0xFFFFFFE0], $0xff  }
0x49: {  	[tilespmem:s13+$0xFFFFFFFB ss:$0x81] =	vst.msk $0xff, v0  }
0x4a: {  	v0 =	vld.msk [tilespmem:s22+$0xFFFFFFF8], $0xff  }
0x4b: {  	[tilespmem:s14+$0xFFFFFFFA ss:$0x81] =	vst.msk $0xff, v1  }
0x4c: {  	s15 =	sadd.s32 $0x8, s14;
	v1 =	vld.msk [tilespmem:s16+$0xFFFFFFF0], $0xff  }
0x4d: {  	[tilespmem:s15+$0xFFFFFFF9 ss:$0x81] =	vst.msk $0xff, v2  }
0x4e: {  	s20 =	sadd.s32 $0x40, s17;
	v2 =	vld.msk [tilespmem:s17+$0xFFFFFFE8], $0xff  }
0x4f: {  	[tilespmem:s13+$0xFFFFFFFC ss:$0x81] =	vst.msk $0xff, v0;
	v0 =	vld.msk [tilespmem:s20+$0xFFFFFFE0], $0xff  }
0x50: {  	v3 =	vld.msk [tilespmem:s22+$0x0], $0xff  }
0x51: {  	[tilespmem:s14+$0xFFFFFFFB ss:$0x81] =	vst.msk $0xff, v1  }
0x52: {  	v1 =	vld.msk [tilespmem:s16+$0xFFFFFFF8], $0xff  }
0x53: {  	s18 =	sadd.s32 $0x8, s15;
	[tilespmem:s15+$0xFFFFFFFA ss:$0x81] =	vst.msk $0xff, v2  }
0x54: {  	v2 =	vld.msk [tilespmem:s17+$0xFFFFFFF0], $0xff;
	[tilespmem:s18+$0xFFFFFFF9 ss:$0x81] =	vst.msk $0xff, v0  }
0x55: {  	v0 =	vld.msk [tilespmem:s20+$0xFFFFFFE8], $0xff;
	[tilespmem:s13+$0xFFFFFFFD ss:$0x81] =	vst.msk $0xff, v3  }
0x56: {  	s21 =	sadd.s32 $0x40, s20;
	v3 =	vld.msk [tilespmem:s22+$0x8], $0xff  }
0x57: {  	[tilespmem:s14+$0xFFFFFFFC ss:$0x81] =	vst.msk $0xff, v1;
	v1 =	vld.msk [tilespmem:s21+$0xFFFFFFE0], $0xff  }
0x58: {  	v4 =	vld.msk [tilespmem:s16+$0x0], $0xff  }
0x59: {  	[tilespmem:s15+$0xFFFFFFFB ss:$0x81] =	vst.msk $0xff, v2  }
0x5a: {  	v2 =	vld.msk [tilespmem:s17+$0xFFFFFFF8], $0xff;
	[tilespmem:s18+$0xFFFFFFFA ss:$0x81] =	vst.msk $0xff, v0  }
0x5b: {  	s19 =	sadd.s32 $0x8, s18;
	v0 =	vld.msk [tilespmem:s20+$0xFFFFFFF0], $0xff;
	[tilespmem:s13+$0xFFFFFFFE ss:$0x81] =	vst.msk $0xff, v3  }
0x5c: {  	[tilespmem:s19+$0xFFFFFFF9 ss:$0x81] =	vst.msk $0xff, v1;
	v1 =	vld.msk [tilespmem:s22+$0x10], $0xff  }
0x5d: {  	[tilespmem:s14+$0xFFFFFFFD ss:$0x81] =	vst.msk $0xff, v4;
	v3 =	vld.msk [tilespmem:s21+$0xFFFFFFE8], $0xff  }
0x5e: {  	s23 =	sadd.s32 $0x40, s21;
	v4 =	vld.msk [tilespmem:s16+$0x8], $0xff  }
0x5f: {  	[tilespmem:s15+$0xFFFFFFFC ss:$0x81] =	vst.msk $0xff, v2;
	v2 =	vld.msk [tilespmem:s23+$0xFFFFFFE0], $0xff  }
0x60: {  	v5 =	vld.msk [tilespmem:s17+$0x0], $0xff;
	[tilespmem:s18+$0xFFFFFFFB ss:$0x81] =	vst.msk $0xff, v0  }
0x61: {  	v6 =	vld.msk [tilespmem:s20+$0xFFFFFFF8], $0xff;
	[tilespmem:s13+$0xFFFFFFFF ss:$0x81] =	vst.msk $0xff, v1  }
0x62: {  	s24 =	sand.u32 $0x1, s10;
	[tilespmem:s19+$0xFFFFFFFA ss:$0x81] =	vst.msk $0xff, v3;
	v0 =	vld.msk [tilespmem:s22+$0x18], $0xff  }
0x63: {  	s24 =	smul.u32 $0x1020, s24;
	[tilespmem:s14+$0xFFFFFFFE ss:$0x81] =	vst.msk $0xff, v4;
	v3 =	vld.msk [tilespmem:s21+$0xFFFFFFF0], $0xff;
	s22 =	sadd.s32 $0x8, s19  }
0x64: {  	v1 =	vld.msk [tilespmem:s16+$0x10], $0xff;
	[tilespmem:s22+$0xFFFFFFF9 ss:$0x81] =	vst.msk $0xff, v2  }
0x65: {  	s24 =	sshrl.u32 s24, $0x2;
	[tilespmem:s15+$0xFFFFFFFD ss:$0x81] =	vst.msk $0xff, v5;
	v4 =	vld.msk [tilespmem:s23+$0xFFFFFFE8], $0xff  }
0x66: {  	s25 =	simm.s32 $0x28;
	s24 =	sor.u32 $0x800, s24;
	s26 =	sadd.s32 $0x40, s23;
	v2 =	vld.msk [tilespmem:s17+$0x8], $0xff;
	[tilespmem:s18+$0xFFFFFFFC ss:$0x81] =	vst.msk $0xff, v6  }
.LBB1_3:
0x67: {  	v5 =	vld.msk [tilespmem:s26+$0xFFFFFFE0], $0xff;
	[tilespmem:s13+$0x0 ss:$0x81] =	vst.msk $0xff, v0;
	s13 =	smov.u32 s14;
	s14 =	smov.u32 s15;
	s15 =	smov.u32 s18  }
0x68: {  	s25 =	sadd.s32 $0x8, s25;
	s18 =	smov.u32 s19;
	[tilespmem:s19+$0xFFFFFFFB ss:$0x81] =	vst.msk $0xff, v3;
	v6 =	vld.msk [tilespmem:s20+$0x0], $0xff;
	s19 =	smov.u32 s22  }
0x69: {  	p1 =	slt.u32 s25, $0x78;
	v7 =	vld.msk [tilespmem:s21+$0xFFFFFFF8], $0xff;
	[tilespmem:s13+$0xFFFFFFFF ss:$0x81] =	vst.msk $0xff, v1  }
.Ltmp3:
0x6a: {  	[tilespmem:s22+$0xFFFFFFFA ss:$0x81] =	vst.msk $0xff, v4;
	v0 =	vld.msk [tilespmem:s16+$0x18], $0xff;
	s16 =	smov.u32 s17;
	s17 =	smov.u32 s20;
	(pc) =	sbr.rel @p1 .LBB1_3-.Ltmp3, $4  }
0x6b: {  	s22 =	sadd.s32 $0x8, s22;
	s20 =	smov.u32 s21;
	s21 =	smov.u32 s23;
	v3 =	vld.msk [tilespmem:s23+$0xFFFFFFF0], $0xff;
	[tilespmem:s14+$0xFFFFFFFE ss:$0x81] =	vst.msk $0xff, v2  }
0x6c: {  	s23 =	smov.u32 s26;
	[tilespmem:s22+$0xFFFFFFF9 ss:$0x81] =	vst.msk $0xff, v5;
	v1 =	vld.msk [tilespmem:s16+$0x10], $0xff  }
0x6d: {  	v4 =	vld.msk [tilespmem:s26+$0xFFFFFFE8], $0xff;
	[tilespmem:s15+$0xFFFFFFFD ss:$0x81] =	vst.msk $0xff, v6  }
0x6e: {  	s26 =	sadd.s32 $0x40, s26;
	[tilespmem:s18+$0xFFFFFFFC ss:$0x81] =	vst.msk $0xff, v7;
	v2 =	vld.msk [tilespmem:s17+$0x8], $0xff  }
0x6f: {  	_ =	sdelay $0x2  }
0x70: {  	[tilespmem:s22+$0xFFFFFFFA ss:$0x81] =	vst.msk $0xff, v4  }
0x71: {  	v4 =	vld.msk [tilespmem:s23+$0xFFFFFFF0], $0xff;
	_ =	sdelay $0x3  }
0x72: {  	[tilespmem:s19+$0xFFFFFFFB ss:$0x81] =	vst.msk $0xff, v3  }
0x73: {  	v3 =	vld.msk [tilespmem:s21+$0xFFFFFFF8], $0xff;
	[tilespmem:s22+$0xFFFFFFFB ss:$0x81] =	vst.msk $0xff, v4  }
0x74: {  	v4 =	vld.msk [tilespmem:s23+$0xFFFFFFF8], $0xff;
	_ =	sdelay $0x3  }
0x75: {  	v5 =	vld.msk [tilespmem:s20+$0x0], $0xff;
	[tilespmem:s19+$0xFFFFFFFC ss:$0x81] =	vst.msk $0xff, v3  }
0x76: {  	v3 =	vld.msk [tilespmem:s21+$0x0], $0xff;
	[tilespmem:s22+$0xFFFFFFFC ss:$0x81] =	vst.msk $0xff, v4  }
0x77: {  	v4 =	vld.msk [tilespmem:s23+$0x0], $0xff;
	_ =	sdelay $0x2  }
0x78: {  	[tilespmem:s18+$0xFFFFFFFD ss:$0x81] =	vst.msk $0xff, v5  }
0x79: {  	v5 =	vld.msk [tilespmem:s20+$0x8], $0xff;
	[tilespmem:s19+$0xFFFFFFFD ss:$0x81] =	vst.msk $0xff, v3  }
0x7a: {  	v3 =	vld.msk [tilespmem:s21+$0x8], $0xff;
	[tilespmem:s22+$0xFFFFFFFD ss:$0x81] =	vst.msk $0xff, v4  }
0x7b: {  	s25 =	sshrl.u32 s12, $0x3;
	v4 =	vld.msk [tilespmem:s23+$0x8], $0xff  }
0x7c: {  	s26 =	sshll.u32 s11, $0x3;
	s25 =	smul.u32 $0x7A1400, s25  }
0x7d: {  	s27 =	sshll.u32 s12, $0x7;
	s26 =	sand.u32 $0xFFFFFC00, s26;
	[tilespmem:s15+$0xFFFFFFFE ss:$0x81] =	vst.msk $0xff, v2  }
0x7e: {  	s12 =	sand.u32 $0x380, s27;
	s25 =	sadd.s32 s26, s25;
	v2 =	vld.msk [tilespmem:s17+$0x10], $0xff;
	[tilespmem:s18+$0xFFFFFFFE ss:$0x81] =	vst.msk $0xff, v5  }
0x7f: {  	s12 =	sor.u32 s12, s25;
	v5 =	vld.msk [tilespmem:s20+$0x10], $0xff;
	[tilespmem:s19+$0xFFFFFFFE ss:$0x81] =	vst.msk $0xff, v3  }
0x80: {  	s25 =	smulhi.u32 $0x218D6287, s12;
	v3 =	vld.msk [tilespmem:s21+$0x10], $0xff;
	[tilespmem:s22+$0xFFFFFFFE ss:$0x81] =	vst.msk $0xff, v4  }
0x81: {  	v4 =	vld.msk [tilespmem:s23+$0x10], $0xff  }
0x82: {  	s28 =	sand.u32 $0x7F, s11;
	[tilespmem:s14+$0xFFFFFFFF ss:$0x81] =	vst.msk $0xff, v1;
	s25 =	sshrl.u32 s25, $0x11  }
0x83: {  	v1 =	vld.msk [tilespmem:s16+$0x18], $0xff;
	s11 =	sor.u32 s28, s12;
	s29 =	smul.u32 $0xAAB, s25;
	[tilespmem:s15+$0xFFFFFFFF ss:$0x81] =	vst.msk $0xff, v2  }
0x84: {  	s30 =	smulhi.u32 $0x218D6287, s11;
	v2 =	vld.msk [tilespmem:s17+$0x18], $0xff;
	[tilespmem:s18+$0xFFFFFFFF ss:$0x81] =	vst.msk $0xff, v5  }
0x85: {  	s12 =	sshrl.u32 s29, $0x10;
	v61 =	vld.msk [tilespmem:s20+$0x18], $0xff;
	[tilespmem:s19+$0xFFFFFFFF ss:$0x81] =	vst.msk $0xff, v3  }
0x86: {  	s16 =	sshrl.u32 s30, $0x11;
	s12 =	smul.u32 $0x18, s12;
	v62 =	vld.msk [tilespmem:s21+$0x18], $0xff;
	[tilespmem:s22+$0xFFFFFFFF ss:$0x81] =	vst.msk $0xff, v4  }
0x87: {  	[tilespmem:s13+$0x0 ss:$0x81] =	vst.msk $0xff, v0;
	s31 =	smul.u32 $0xF4280, s16;
	v63 =	vld.msk [tilespmem:s23+$0x18], $0xff  }
0x88: {  	[tilespmem:s14+$0x0 ss:$0x81] =	vst.msk $0xff, v1;
	s12 =	ssub.s32 s25, s12  }
.Ltmp4:
0x89: {  	s11 =	ssub.s32 s11, s31;
	s12 =	sand.u32 $0xFFFF, s12;
	[tilespmem:s15+$0x0 ss:$0x81] =	vst.msk $0xff, v2;
	(pc) =	sbr.rel .LBB1_5-.Ltmp4, $4  }
0x8a: {  	s13 =	sshrl.u32 s11, $0x3;
	s12 =	smul.u32 $0x1E850, s12;
	[tilespmem:s18+$0x0 ss:$0x81] =	vst.msk $0xff, v61  }
0x8b: {  	s13 =	sadd.s32 s3, s13;
	[tilespmem:s19+$0x0 ss:$0x81] =	vst.msk $0xff, v62  }
0x8c: {  	s11 =	sand.u32 $0x7, s11;
	s12 =	sadd.s32 s12, s13;
	[tilespmem:s22+$0x0 ss:$0x81] =	vst.msk $0xff, v63  }
0x8d: {  	[hbm4b:s12+s11] =	stream.linear.scatter [tilespmem:s24], [sflag:$0x2], $0x400, $0x20;
	[tilespmem:$0x1010] =	vst v63  }
.LBB1_6:
0x8e: {  	_ =	sfence.sel $0x180000  }
0x8f: {  	s2 =	simm.s32 $0x1;
	[bflag:$0x0] =	sbarrier.arrive $0xFFFF  }
0x90: {  	s31 =	simm.s32 $0x2;
	[sflag:s2] =	ssyncpa.u1 $0x1  }
0x91: {  	[sflag:s31] =	ssyncpa.u1 $0x1  }
0x92: {  	p0 =	sne.s32 s0, $0x0;
	_ =	strace $0x9000004A  }
0x93: {  	s0 =	sadd.s32 @!p0 $0x100000, s1;
	[bflag:$0x2] =	sbarrier.arrive $0xFFFF  }
0x94: {  	[sflag:s0] =	ssyncadd.tile.s32 @!p0 $0x1;
	_ =	shalt  }
.Lfunc_end1:
_tile_overlayer_lowered:
.L_overlay_start_2:
0x95: {  	(tag) =	ssettag $0x2  }
0x96: {  	s0 =	rddreg [dreg:$0x0];
	s2 =	stileid.u32  }
0x97: {  	s1 =	rddreg [dreg:$0x1];
	p0 =	sne.s32 s2, $0x0  }
0x98: {  	s3 =	rddreg [dreg:$0x2];
	[bflag:$0x3] =	sbarrier.arrive $0xFFFF;
	s2 =	simm.s32 @!p0 $0x1C01  }
0x99: {  	[timem:s3], [sflag:s2] =	dma.local @!p0 [hbm:s0], s1  }
0x9a: {  	s0 =	simm.s32 @!p0 $0x1  }
0x9b: {  	_ =	swait.ge @!p0 [sflag:s0], s1  }
0x9c: {  	s1 =	ssub.s32 @!p0 $0x0, s1;
	[sflag:s0] =	ssyncset.done @!p0 $0x0  }
0x9d: {  	[sflag:s0] =	ssyncadd.s32 @!p0 s1  }
0x9e: {  	[bflag:$0x3] =	sbarrier.arrive $0xFFFF  }
0x9f: {  	_ =	shalt  }

</sc_bundles>
